<compile_context>
chip_gen: v7x
topology: tpu7x:2x2x1
jax: 0.10.2.dev20260603
libtpu: 0.0.44.dev20260713+nightly
codegen_flags: <defaults>
</compile_context>

<pallas_src>
import functools

import jax
import jax.numpy as jnp
from jax import lax
from jax.experimental import pallas as pl
from jax.experimental.pallas import tpu as pltpu
from jax.experimental.pallas import tpu_sc as plsc

NC = 2
NS = 16
NW = NC * NS
L = 16
CHUNK = 64


@functools.lru_cache(maxsize=None)
def _make_kernel(E: int, D: int, N: int):
    assert E % CHUNK == 0 and D % (2 * L) == 0
    n_chunks = E // CHUNK
    n_iters = -(-n_chunks // NW)
    n_pairs = -(-n_iters // 2)
    mesh = plsc.VectorSubcoreMesh(core_axis_name="c", subcore_axis_name="s")

    @functools.partial(
        pl.kernel,
        out_type=jax.ShapeDtypeStruct((E,), jnp.float32),
        mesh=mesh,
        compiler_params=pltpu.CompilerParams(
            needs_layout_passes=False,
            use_tc_tiling_on_sc=False,
        ),
        scratch_types=[
            pltpu.VMEM((2 * CHUNK,), jnp.int32),
            pltpu.VMEM((2 * CHUNK,), jnp.int32),
            pltpu.VMEM((2 * CHUNK, D), jnp.bfloat16),
            pltpu.VMEM((2 * CHUNK, D), jnp.bfloat16),
            pltpu.VMEM((CHUNK * L,), jnp.float32),
            pltpu.VMEM((CHUNK,), jnp.float32),
            pltpu.VMEM((CHUNK,), jnp.float32),
            pltpu.VMEM_SHARED((N, D), jnp.bfloat16),
            pltpu.SemaphoreType.DMA,
            pltpu.SemaphoreType.DMA,
            pltpu.SemaphoreType.DMA,
            pltpu.SemaphoreType.DMA,
            pltpu.SemaphoreType.DMA,
            pltpu.SemaphoreType.DMA,
            pltpu.SemaphoreType.DMA,
        ],
    )
    def dot_scores(h_hbm, src_hbm, dst_hbm, out_hbm,
                   ix0, ix1, r0, r1, tmp, ob0, ob1,
                   table, sem_t,
                   sem_i0, sem_i1, sem_g0, sem_g1, sem_o0, sem_o1):
        wid = lax.axis_index("s") * NC + lax.axis_index("c")
        lane = lax.iota(jnp.int32, L)
        last = n_chunks - 1

        @pl.when(lax.axis_index("s") == 0)
        def _():
            pltpu.async_copy(h_hbm, table, sem_t)
            pltpu.make_async_copy(h_hbm, table, sem_t).wait()
        plsc.subcore_barrier()

        def chunk_base(i):
            return jnp.minimum(wid + i * NW, last) * CHUNK

        def issue_idx(i, ix, sem):
            base = chunk_base(i)
            pltpu.async_copy(
                src_hbm.at[pl.ds(base, CHUNK)], ix.at[pl.ds(0, CHUNK)], sem)
            pltpu.async_copy(
                dst_hbm.at[pl.ds(base, CHUNK)], ix.at[pl.ds(CHUNK, CHUNK)],
                sem)

        def wait_idx(ix, sem):
            pltpu.make_async_copy(
                src_hbm.at[pl.ds(0, CHUNK)], ix.at[pl.ds(0, CHUNK)],
                sem).wait()
            pltpu.make_async_copy(
                dst_hbm.at[pl.ds(0, CHUNK)], ix.at[pl.ds(CHUNK, CHUNK)],
                sem).wait()

        def issue_gather(ix, buf, sem):
            pltpu.async_copy(table.at[ix], buf, sem)

        def wait_gather(ix, buf, sem):
            pltpu.make_async_copy(table.at[ix], buf, sem).wait()

        def compute(buf, out_buf):
            @plsc.parallel_loop(0, CHUNK, step=1, unroll=4)
            def edge_body(e):
                prods = [
                    buf[e, pl.ds(k * 2 * L, 2 * L)]
                    * buf[CHUNK + e, pl.ds(k * 2 * L, 2 * L)]
                    for k in range(D // (2 * L))
                ]
                while len(prods) > 1:
                    prods = [prods[i] + prods[i + 1]
                             for i in range(0, len(prods), 2)]
                pa, pb = plsc.unpack(
                    prods[0], format=plsc.PackFormat.INTERLEAVED)
                tmp[pl.ds(e * L, L)] = pa + pb

            @plsc.parallel_loop(0, CHUNK // L, step=1, unroll=2)
            def group_red(g):
                row_base = (g * L + lane) * L
                tot = plsc.load_gather(tmp, [row_base])
                for k in range(1, L):
                    tot = tot + plsc.load_gather(tmp, [row_base + k])
                out_buf[pl.ds(g * L, L)] = tot

        def issue_out(i, out_buf, sem):
            base = chunk_base(i)
            pltpu.async_copy(out_buf, out_hbm.at[pl.ds(base, CHUNK)], sem)

        def wait_out(out_buf, sem):
            pltpu.make_async_copy(
                out_buf, out_hbm.at[pl.ds(0, CHUNK)], sem).wait()

        issue_idx(0, ix0, sem_i0)
        issue_idx(1, ix1, sem_i1)
        wait_idx(ix0, sem_i0)
        issue_gather(ix0, r0, sem_g0)

        def pair_body(j, carry):
            i0 = 2 * j
            i1 = 2 * j + 1
            wait_gather(ix0, r0, sem_g0)
            issue_idx(i0 + 2, ix0, sem_i0)
            wait_idx(ix1, sem_i1)
            issue_gather(ix1, r1, sem_g1)

            @pl.when(j > 0)
            def _():
                wait_out(ob0, sem_o0)
            compute(r0, ob0)
            issue_out(i0, ob0, sem_o0)

            wait_gather(ix1, r1, sem_g1)
            wait_idx(ix0, sem_i0)
            issue_gather(ix0, r0, sem_g0)
            issue_idx(i1 + 2, ix1, sem_i1)

            @pl.when(j > 0)
            def _():
                wait_out(ob1, sem_o1)
            compute(r1, ob1)
            issue_out(i1, ob1, sem_o1)
            return carry

        lax.fori_loop(0, n_pairs, pair_body, 0)

        wait_gather(ix0, r0, sem_g0)
        wait_idx(ix1, sem_i1)
        wait_out(ob0, sem_o0)
        wait_out(ob1, sem_o1)

    return dot_scores


def kernel(h, edge_index):
    ei = edge_index.astype(jnp.int32)
    fn = _make_kernel(ei.shape[1], h.shape[1], h.shape[0])
    return fn(h.astype(jnp.bfloat16), ei[0], ei[1])

# --- scband reference (transcript-rebuilt; emitter-appended) ---
"""Pipeline reference for scband-dot-predictor-4561255268767 (READ-ONLY COPY).

The authoritative reference and input builder live on the scoring server;
editing this copy changes nothing except your own understanding.
"""

import jax, jax.numpy as jnp
import numpy as np

N_NODES = 10000
N_EDGES = 160000
D_FEAT = 256


def setup_inputs(seed: int = 0) -> dict:
    key = jax.random.key(seed)
    k1, k2 = jax.random.split(key)
    h = jax.random.normal(k1, (N_NODES, D_FEAT), dtype=jnp.float32)
    edge_index = jax.random.randint(k2, (2, N_EDGES), 0, N_NODES, dtype=jnp.int64)
    return {"h": h, "edge_index": edge_index}


def reference(h, edge_index):
    # DGL DotPredictor: g.apply_edges(fn.u_dot_v('h', 'h', 'score'))
    # score[e] = <h[src[e]], h[dst[e]]>, returned as the 0-th (only) column.
    src = jnp.take(h, edge_index[0], axis=0)  # [E, d] gather
    dst = jnp.take(h, edge_index[1], axis=0)  # [E, d] gather
    score = jnp.sum(src * dst, axis=-1)       # [E]
    return score

if __name__ == "__main__":
    import jax
    _d = setup_inputs()
    print(jax.jit(kernel)(*tuple(_d.values())))

</pallas_src>

<mosaic_0001>
#map = affine_map<(d0, d1) -> (0, 0)>
#map1 = affine_map<(d0, d1) -> (0)>
module attributes {stable_mosaic.version = 14 : i64} {
  func.func @dot_scores(%arg0: i32, %arg1: i32, %arg2: memref<10000x256xbf16, #tpu.memory_space<hbm>>, %arg3: memref<160000xi32, #tpu.memory_space<hbm>>, %arg4: memref<160000xi32, #tpu.memory_space<hbm>>, %arg5: memref<160000xf32, #tpu.memory_space<hbm>>, %arg6: memref<128xi32, #tpu.memory_space<vmem>>, %arg7: memref<128xi32, #tpu.memory_space<vmem>>, %arg8: memref<128x256xbf16, #tpu.memory_space<vmem>>, %arg9: memref<128x256xbf16, #tpu.memory_space<vmem>>, %arg10: memref<1024xf32, #tpu.memory_space<vmem>>, %arg11: memref<64xf32, #tpu.memory_space<vmem>>, %arg12: memref<64xf32, #tpu.memory_space<vmem>>, %arg13: memref<10000x256xbf16, #tpu.memory_space<vmem_shared>>, %arg14: memref<!tpu.dma_semaphore, #tpu.memory_space<semaphore_mem>>, %arg15: memref<!tpu.dma_semaphore, #tpu.memory_space<semaphore_mem>>, %arg16: memref<!tpu.dma_semaphore, #tpu.memory_space<semaphore_mem>>, %arg17: memref<!tpu.dma_semaphore, #tpu.memory_space<semaphore_mem>>, %arg18: memref<!tpu.dma_semaphore, #tpu.memory_space<semaphore_mem>>, %arg19: memref<!tpu.dma_semaphore, #tpu.memory_space<semaphore_mem>>, %arg20: memref<!tpu.dma_semaphore, #tpu.memory_space<semaphore_mem>>) attributes {dimension_semantics = [#tpu.dimension_semantics<core_parallel>, #tpu.dimension_semantics<subcore_parallel>], iteration_bounds = array<i64: 2, 16>, scalar_prefetch = 0 : i64, scratch_operands = 15 : i64, tpu.core_type = #tpu.core_type<sc_vector_subcore>, window_params = [{transform_indices = #map}, {transform_indices = #map1}, {transform_indices = #map1}, {transform_indices = #map1}]} {
    %mul3A = arith.constant 2 : i32
    %mul3A_0 = arith.muli %arg1, %mul3A : i32
    %add3A = arith.addi %mul3A_0, %arg0 : i32
    %iota3A = tpu.iota {dimensions = array<i32: 0>} : vector<16xi32>
    %eq3A = arith.constant 0 : i32
    %eq3A_1 = arith.cmpi eq, %arg1, %eq3A : i32
    %convert_element_type3A = arith.extui %eq3A_1 : i1 to i32
    %cond3A = arith.constant 0 : i32
    %cond3A_2 = arith.cmpi ne, %convert_element_type3A, %cond3A : i32
    scf.if %cond3A_2 {
      tpu.enqueue_dma source(%arg2 : memref<10000x256xbf16, #tpu.memory_space<hbm>>) target(%arg13 : memref<10000x256xbf16, #tpu.memory_space<vmem_shared>>) target_semaphore(%arg14 : memref<!tpu.dma_semaphore, #tpu.memory_space<semaphore_mem>>)
      tpu.wait_dma2 semaphore(%arg14 : memref<!tpu.dma_semaphore, #tpu.memory_space<semaphore_mem>>) src(%arg2 : memref<10000x256xbf16, #tpu.memory_space<hbm>>) dst(%arg13 : memref<10000x256xbf16, #tpu.memory_space<vmem_shared>>)
    } else {
    }
    %barrier3A = arith.constant 0 : index
    tpu.barrier barrier_id(%barrier3A)
    %add3A_3 = arith.constant 0 : i32
    %add3A_4 = arith.addi %add3A, %add3A_3 : i32
    %min3A = arith.constant 2499 : i32
    %min3A_5 = arith.minsi %add3A_4, %min3A : i32
    %mul3A_6 = arith.constant 64 : i32
    %mul3A_7 = arith.muli %min3A_5, %mul3A_6 : i32
    %dma_start3A = arith.constant 0 : i32
    %dma_start3A_8 = tpu.memref_slice %arg6[%dma_start3A] : memref<128xi32, #tpu.memory_space<vmem>> -> memref<64xi32, #tpu.memory_space<vmem>>
    %dma_start3A_9 = tpu.memref_slice %arg3[%mul3A_7] : memref<160000xi32, #tpu.memory_space<hbm>> -> memref<64xi32, #tpu.memory_space<hbm>>
    %dma_start3A_10 = arith.constant 0 : i32
    %dma_start3A_11 = tpu.memref_slice %arg6[%dma_start3A_10] : memref<128xi32, #tpu.memory_space<vmem>> -> memref<64xi32, #tpu.memory_space<vmem>>
    %dma_start3A_12 = tpu.memref_slice %arg3[%mul3A_7] : memref<160000xi32, #tpu.memory_space<hbm>> -> memref<64xi32, #tpu.memory_space<hbm>>
    tpu.enqueue_dma source(%dma_start3A_12 : memref<64xi32, #tpu.memory_space<hbm>>) target(%dma_start3A_11 : memref<64xi32, #tpu.memory_space<vmem>>) target_semaphore(%arg15 : memref<!tpu.dma_semaphore, #tpu.memory_space<semaphore_mem>>)
    %dma_start3A_13 = arith.constant 64 : i32
    %dma_start3A_14 = tpu.memref_slice %arg6[%dma_start3A_13] : memref<128xi32, #tpu.memory_space<vmem>> -> memref<64xi32, #tpu.memory_space<vmem>>
    %dma_start3A_15 = tpu.memref_slice %arg4[%mul3A_7] : memref<160000xi32, #tpu.memory_space<hbm>> -> memref<64xi32, #tpu.memory_space<hbm>>
    %dma_start3A_16 = arith.constant 64 : i32
    %dma_start3A_17 = tpu.memref_slice %arg6[%dma_start3A_16] : memref<128xi32, #tpu.memory_space<vmem>> -> memref<64xi32, #tpu.memory_space<vmem>>
    %dma_start3A_18 = tpu.memref_slice %arg4[%mul3A_7] : memref<160000xi32, #tpu.memory_space<hbm>> -> memref<64xi32, #tpu.memory_space<hbm>>
    tpu.enqueue_dma source(%dma_start3A_18 : memref<64xi32, #tpu.memory_space<hbm>>) target(%dma_start3A_17 : memref<64xi32, #tpu.memory_space<vmem>>) target_semaphore(%arg15 : memref<!tpu.dma_semaphore, #tpu.memory_space<semaphore_mem>>)
    %add3A_19 = arith.constant 32 : i32
    %add3A_20 = arith.addi %add3A, %add3A_19 : i32
    %min3A_21 = arith.constant 2499 : i32
    %min3A_22 = arith.minsi %add3A_20, %min3A_21 : i32
    %mul3A_23 = arith.constant 64 : i32
    %mul3A_24 = arith.muli %min3A_22, %mul3A_23 : i32
    %dma_start3A_25 = arith.constant 0 : i32
    %dma_start3A_26 = tpu.memref_slice %arg7[%dma_start3A_25] : memref<128xi32, #tpu.memory_space<vmem>> -> memref<64xi32, #tpu.memory_space<vmem>>
    %dma_start3A_27 = tpu.memref_slice %arg3[%mul3A_24] : memref<160000xi32, #tpu.memory_space<hbm>> -> memref<64xi32, #tpu.memory_space<hbm>>
    %dma_start3A_28 = arith.constant 0 : i32
    %dma_start3A_29 = tpu.memref_slice %arg7[%dma_start3A_28] : memref<128xi32, #tpu.memory_space<vmem>> -> memref<64xi32, #tpu.memory_space<vmem>>
    %dma_start3A_30 = tpu.memref_slice %arg3[%mul3A_24] : memref<160000xi32, #tpu.memory_space<hbm>> -> memref<64xi32, #tpu.memory_space<hbm>>
    tpu.enqueue_dma source(%dma_start3A_30 : memref<64xi32, #tpu.memory_space<hbm>>) target(%dma_start3A_29 : memref<64xi32, #tpu.memory_space<vmem>>) target_semaphore(%arg16 : memref<!tpu.dma_semaphore, #tpu.memory_space<semaphore_mem>>)
    %dma_start3A_31 = arith.constant 64 : i32
    %dma_start3A_32 = tpu.memref_slice %arg7[%dma_start3A_31] : memref<128xi32, #tpu.memory_space<vmem>> -> memref<64xi32, #tpu.memory_space<vmem>>
    %dma_start3A_33 = tpu.memref_slice %arg4[%mul3A_24] : memref<160000xi32, #tpu.memory_space<hbm>> -> memref<64xi32, #tpu.memory_space<hbm>>
    %dma_start3A_34 = arith.constant 64 : i32
    %dma_start3A_35 = tpu.memref_slice %arg7[%dma_start3A_34] : memref<128xi32, #tpu.memory_space<vmem>> -> memref<64xi32, #tpu.memory_space<vmem>>
    %dma_start3A_36 = tpu.memref_slice %arg4[%mul3A_24] : memref<160000xi32, #tpu.memory_space<hbm>> -> memref<64xi32, #tpu.memory_space<hbm>>
    tpu.enqueue_dma source(%dma_start3A_36 : memref<64xi32, #tpu.memory_space<hbm>>) target(%dma_start3A_35 : memref<64xi32, #tpu.memory_space<vmem>>) target_semaphore(%arg16 : memref<!tpu.dma_semaphore, #tpu.memory_space<semaphore_mem>>)
    %dma_wait3A = arith.constant 0 : i32
    %dma_wait3A_37 = tpu.memref_slice %arg6[%dma_wait3A] : memref<128xi32, #tpu.memory_space<vmem>> -> memref<64xi32, #tpu.memory_space<vmem>>
    %dma_wait3A_38 = arith.constant 0 : i32
    %dma_wait3A_39 = tpu.memref_slice %arg3[%dma_wait3A_38] : memref<160000xi32, #tpu.memory_space<hbm>> -> memref<64xi32, #tpu.memory_space<hbm>>
    %dma_wait3A_40 = arith.constant 0 : i32
    %dma_wait3A_41 = tpu.memref_slice %arg6[%dma_wait3A_40] : memref<128xi32, #tpu.memory_space<vmem>> -> memref<64xi32, #tpu.memory_space<vmem>>
    %dma_wait3A_42 = arith.constant 0 : i32
    %dma_wait3A_43 = tpu.memref_slice %arg3[%dma_wait3A_42] : memref<160000xi32, #tpu.memory_space<hbm>> -> memref<64xi32, #tpu.memory_space<hbm>>
    tpu.wait_dma2 semaphore(%arg15 : memref<!tpu.dma_semaphore, #tpu.memory_space<semaphore_mem>>) src(%dma_wait3A_43 : memref<64xi32, #tpu.memory_space<hbm>>) dst(%dma_wait3A_41 : memref<64xi32, #tpu.memory_space<vmem>>)
    %dma_wait3A_44 = arith.constant 64 : i32
    %dma_wait3A_45 = tpu.memref_slice %arg6[%dma_wait3A_44] : memref<128xi32, #tpu.memory_space<vmem>> -> memref<64xi32, #tpu.memory_space<vmem>>
    %dma_wait3A_46 = arith.constant 0 : i32
    %dma_wait3A_47 = tpu.memref_slice %arg4[%dma_wait3A_46] : memref<160000xi32, #tpu.memory_space<hbm>> -> memref<64xi32, #tpu.memory_space<hbm>>
    %dma_wait3A_48 = arith.constant 64 : i32
    %dma_wait3A_49 = tpu.memref_slice %arg6[%dma_wait3A_48] : memref<128xi32, #tpu.memory_space<vmem>> -> memref<64xi32, #tpu.memory_space<vmem>>
    %dma_wait3A_50 = arith.constant 0 : i32
    %dma_wait3A_51 = tpu.memref_slice %arg4[%dma_wait3A_50] : memref<160000xi32, #tpu.memory_space<hbm>> -> memref<64xi32, #tpu.memory_space<hbm>>
    tpu.wait_dma2 semaphore(%arg15 : memref<!tpu.dma_semaphore, #tpu.memory_space<semaphore_mem>>) src(%dma_wait3A_51 : memref<64xi32, #tpu.memory_space<hbm>>) dst(%dma_wait3A_49 : memref<64xi32, #tpu.memory_space<vmem>>)
    %dma_start3A_52 = arith.constant 0 : i32
    %dma_start3A_53 = arith.constant 0 : i32
    %dma_start3A_54 = tpu.memref_slice %arg13[%dma_start3A_52, %dma_start3A_53] : memref<10000x256xbf16, #tpu.memory_space<vmem_shared>> -> memref<10000x256xbf16, #tpu.memory_space<vmem_shared>>
    tpu.enqueue_indirect_dma source(%dma_start3A_54 : memref<10000x256xbf16, #tpu.memory_space<vmem_shared>>) target(%arg8 : memref<128x256xbf16, #tpu.memory_space<vmem>>) offsets(%arg6 : memref<128xi32, #tpu.memory_space<vmem>>) semaphore(%arg17 : memref<!tpu.dma_semaphore, #tpu.memory_space<semaphore_mem>>)
    %scan3A = arith.constant 0 : i32
    %scan3A_55 = arith.constant 0 : i32
    %scan3A_56 = arith.constant 40 : i32
    %scan3A_57 = arith.addi %scan3A_55, %scan3A_56 : i32
    %scan3A_58 = arith.constant 1 : i32
    scf.for %scan3A_87 = %scan3A_55 to %scan3A_57 step %scan3A_58  : i32 {
      %mul3A_88 = arith.constant 2 : i32
      %mul3A_89 = arith.muli %mul3A_88, %scan3A_87 : i32
      %mul3A_90 = arith.constant 2 : i32
      %mul3A_91 = arith.muli %mul3A_90, %scan3A_87 : i32
      %add3A_92 = arith.constant 1 : i32
      %add3A_93 = arith.addi %mul3A_91, %add3A_92 : i32
      %dma_wait3A_94 = arith.constant 0 : i32
      %dma_wait3A_95 = arith.constant 0 : i32
      %dma_wait3A_96 = tpu.memref_slice %arg13[%dma_wait3A_94, %dma_wait3A_95] : memref<10000x256xbf16, #tpu.memory_space<vmem_shared>> -> memref<10000x256xbf16, #tpu.memory_space<vmem_shared>>
      tpu.wait_indirect_dma semaphore(%arg17 : memref<!tpu.dma_semaphore, #tpu.memory_space<semaphore_mem>>) src(%dma_wait3A_96 : memref<10000x256xbf16, #tpu.memory_space<vmem_shared>>) dst(%arg8 : memref<128x256xbf16, #tpu.memory_space<vmem>>)
      %add3A_97 = arith.constant 2 : i32
      %add3A_98 = arith.addi %mul3A_89, %add3A_97 : i32
      %mul3A_99 = arith.constant 32 : i32
      %mul3A_100 = arith.muli %add3A_98, %mul3A_99 : i32
      %add3A_101 = arith.addi %add3A, %mul3A_100 : i32
      %min3A_102 = arith.constant 2499 : i32
      %min3A_103 = arith.minsi %add3A_101, %min3A_102 : i32
      %mul3A_104 = arith.constant 64 : i32
      %mul3A_105 = arith.muli %min3A_103, %mul3A_104 : i32
      %dma_start3A_106 = arith.constant 0 : i32
      %dma_start3A_107 = tpu.memref_slice %arg6[%dma_start3A_106] : memref<128xi32, #tpu.memory_space<vmem>> -> memref<64xi32, #tpu.memory_space<vmem>>
      %dma_start3A_108 = tpu.memref_slice %arg3[%mul3A_105] : memref<160000xi32, #tpu.memory_space<hbm>> -> memref<64xi32, #tpu.memory_space<hbm>>
      %dma_start3A_109 = arith.constant 0 : i32
      %dma_start3A_110 = tpu.memref_slice %arg6[%dma_start3A_109] : memref<128xi32, #tpu.memory_space<vmem>> -> memref<64xi32, #tpu.memory_space<vmem>>
      %dma_start3A_111 = tpu.memref_slice %arg3[%mul3A_105] : memref<160000xi32, #tpu.memory_space<hbm>> -> memref<64xi32, #tpu.memory_space<hbm>>
      tpu.enqueue_dma source(%dma_start3A_111 : memref<64xi32, #tpu.memory_space<hbm>>) target(%dma_start3A_110 : memref<64xi32, #tpu.memory_space<vmem>>) target_semaphore(%arg15 : memref<!tpu.dma_semaphore, #tpu.memory_space<semaphore_mem>>)
      %dma_start3A_112 = arith.constant 64 : i32
      %dma_start3A_113 = tpu.memref_slice %arg6[%dma_start3A_112] : memref<128xi32, #tpu.memory_space<vmem>> -> memref<64xi32, #tpu.memory_space<vmem>>
      %dma_start3A_114 = tpu.memref_slice %arg4[%mul3A_105] : memref<160000xi32, #tpu.memory_space<hbm>> -> memref<64xi32, #tpu.memory_space<hbm>>
      %dma_start3A_115 = arith.constant 64 : i32
      %dma_start3A_116 = tpu.memref_slice %arg6[%dma_start3A_115] : memref<128xi32, #tpu.memory_space<vmem>> -> memref<64xi32, #tpu.memory_space<vmem>>
      %dma_start3A_117 = tpu.memref_slice %arg4[%mul3A_105] : memref<160000xi32, #tpu.memory_space<hbm>> -> memref<64xi32, #tpu.memory_space<hbm>>
      tpu.enqueue_dma source(%dma_start3A_117 : memref<64xi32, #tpu.memory_space<hbm>>) target(%dma_start3A_116 : memref<64xi32, #tpu.memory_space<vmem>>) target_semaphore(%arg15 : memref<!tpu.dma_semaphore, #tpu.memory_space<semaphore_mem>>)
      %dma_wait3A_118 = arith.constant 0 : i32
      %dma_wait3A_119 = tpu.memref_slice %arg7[%dma_wait3A_118] : memref<128xi32, #tpu.memory_space<vmem>> -> memref<64xi32, #tpu.memory_space<vmem>>
      %dma_wait3A_120 = arith.constant 0 : i32
      %dma_wait3A_121 = tpu.memref_slice %arg3[%dma_wait3A_120] : memref<160000xi32, #tpu.memory_space<hbm>> -> memref<64xi32, #tpu.memory_space<hbm>>
      %dma_wait3A_122 = arith.constant 0 : i32
      %dma_wait3A_123 = tpu.memref_slice %arg7[%dma_wait3A_122] : memref<128xi32, #tpu.memory_space<vmem>> -> memref<64xi32, #tpu.memory_space<vmem>>
      %dma_wait3A_124 = arith.constant 0 : i32
      %dma_wait3A_125 = tpu.memref_slice %arg3[%dma_wait3A_124] : memref<160000xi32, #tpu.memory_space<hbm>> -> memref<64xi32, #tpu.memory_space<hbm>>
      tpu.wait_dma2 semaphore(%arg16 : memref<!tpu.dma_semaphore, #tpu.memory_space<semaphore_mem>>) src(%dma_wait3A_125 : memref<64xi32, #tpu.memory_space<hbm>>) dst(%dma_wait3A_123 : memref<64xi32, #tpu.memory_space<vmem>>)
      %dma_wait3A_126 = arith.constant 64 : i32
      %dma_wait3A_127 = tpu.memref_slice %arg7[%dma_wait3A_126] : memref<128xi32, #tpu.memory_space<vmem>> -> memref<64xi32, #tpu.memory_space<vmem>>
      %dma_wait3A_128 = arith.constant 0 : i32
      %dma_wait3A_129 = tpu.memref_slice %arg4[%dma_wait3A_128] : memref<160000xi32, #tpu.memory_space<hbm>> -> memref<64xi32, #tpu.memory_space<hbm>>
      %dma_wait3A_130 = arith.constant 64 : i32
      %dma_wait3A_131 = tpu.memref_slice %arg7[%dma_wait3A_130] : memref<128xi32, #tpu.memory_space<vmem>> -> memref<64xi32, #tpu.memory_space<vmem>>
      %dma_wait3A_132 = arith.constant 0 : i32
      %dma_wait3A_133 = tpu.memref_slice %arg4[%dma_wait3A_132] : memref<160000xi32, #tpu.memory_space<hbm>> -> memref<64xi32, #tpu.memory_space<hbm>>
      tpu.wait_dma2 semaphore(%arg16 : memref<!tpu.dma_semaphore, #tpu.memory_space<semaphore_mem>>) src(%dma_wait3A_133 : memref<64xi32, #tpu.memory_space<hbm>>) dst(%dma_wait3A_131 : memref<64xi32, #tpu.memory_space<vmem>>)
      %dma_start3A_134 = arith.constant 0 : i32
      %dma_start3A_135 = arith.constant 0 : i32
      %dma_start3A_136 = tpu.memref_slice %arg13[%dma_start3A_134, %dma_start3A_135] : memref<10000x256xbf16, #tpu.memory_space<vmem_shared>> -> memref<10000x256xbf16, #tpu.memory_space<vmem_shared>>
      tpu.enqueue_indirect_dma source(%dma_start3A_136 : memref<10000x256xbf16, #tpu.memory_space<vmem_shared>>) target(%arg9 : memref<128x256xbf16, #tpu.memory_space<vmem>>) offsets(%arg7 : memref<128xi32, #tpu.memory_space<vmem>>) semaphore(%arg18 : memref<!tpu.dma_semaphore, #tpu.memory_space<semaphore_mem>>)
      %gt3A = arith.constant 0 : i32
      %gt3A_137 = arith.cmpi sgt, %scan3A_87, %gt3A : i32
      %convert_element_type3A_138 = arith.extui %gt3A_137 : i1 to i32
      %cond3A_139 = arith.constant 0 : i32
      %cond3A_140 = arith.cmpi ne, %convert_element_type3A_138, %cond3A_139 : i32
      scf.if %cond3A_140 {
        %dma_wait3A_218 = arith.constant 0 : i32
        %dma_wait3A_219 = tpu.memref_slice %arg5[%dma_wait3A_218] : memref<160000xf32, #tpu.memory_space<hbm>> -> memref<64xf32, #tpu.memory_space<hbm>>
        %dma_wait3A_220 = arith.constant 0 : i32
        %dma_wait3A_221 = tpu.memref_slice %arg5[%dma_wait3A_220] : memref<160000xf32, #tpu.memory_space<hbm>> -> memref<64xf32, #tpu.memory_space<hbm>>
        tpu.wait_dma2 semaphore(%arg19 : memref<!tpu.dma_semaphore, #tpu.memory_space<semaphore_mem>>) src(%arg11 : memref<64xf32, #tpu.memory_space<vmem>>) dst(%dma_wait3A_221 : memref<64xf32, #tpu.memory_space<hbm>>)
      } else {
      }
      %parallel_loop3A = arith.constant 0 : i32
      %parallel_loop3A_141 = arith.constant 64 : i32
      %parallel_loop3A_142 = arith.constant 1 : i32
      scf.for %parallel_loop3A_218 = %parallel_loop3A to %parallel_loop3A_141 step %parallel_loop3A_142  : i32 {
        %parallel_loop3A_219 = arith.index_cast %parallel_loop3A_218 : i32 to index
        %parallel_loop3A_220 = arith.constant 0 : index
        %parallel_loop3A_221 = tpu.vector_load %arg8[%parallel_loop3A_219, %parallel_loop3A_220] {strides = array<i32>} : memref<128x256xbf16, #tpu.memory_space<vmem>>, vector<32xbf16>,
        %parallel_loop3A_222 = arith.constant 64 : i32
        %parallel_loop3A_223 = arith.addi %parallel_loop3A_222, %parallel_loop3A_218 : i32
        %parallel_loop3A_224 = arith.index_cast %parallel_loop3A_223 : i32 to index
        %parallel_loop3A_225 = arith.constant 0 : index
        %parallel_loop3A_226 = tpu.vector_load %arg8[%parallel_loop3A_224, %parallel_loop3A_225] {strides = array<i32>} : memref<128x256xbf16, #tpu.memory_space<vmem>>, vector<32xbf16>,
        %parallel_loop3A_227 = arith.mulf %parallel_loop3A_221, %parallel_loop3A_226 : vector<32xbf16>
        %parallel_loop3A_228 = arith.index_cast %parallel_loop3A_218 : i32 to index
        %parallel_loop3A_229 = arith.constant 32 : index
        %parallel_loop3A_230 = tpu.vector_load %arg8[%parallel_loop3A_228, %parallel_loop3A_229] {strides = array<i32>} : memref<128x256xbf16, #tpu.memory_space<vmem>>, vector<32xbf16>,
        %parallel_loop3A_231 = arith.constant 64 : i32
        %parallel_loop3A_232 = arith.addi %parallel_loop3A_231, %parallel_loop3A_218 : i32
        %parallel_loop3A_233 = arith.index_cast %parallel_loop3A_232 : i32 to index
        %parallel_loop3A_234 = arith.constant 32 : index
        %parallel_loop3A_235 = tpu.vector_load %arg8[%parallel_loop3A_233, %parallel_loop3A_234] {strides = array<i32>} : memref<128x256xbf16, #tpu.memory_space<vmem>>, vector<32xbf16>,
        %parallel_loop3A_236 = arith.mulf %parallel_loop3A_230, %parallel_loop3A_235 : vector<32xbf16>
        %parallel_loop3A_237 = arith.index_cast %parallel_loop3A_218 : i32 to index
        %parallel_loop3A_238 = arith.constant 64 : index
        %parallel_loop3A_239 = tpu.vector_load %arg8[%parallel_loop3A_237, %parallel_loop3A_238] {strides = array<i32>} : memref<128x256xbf16, #tpu.memory_space<vmem>>, vector<32xbf16>,
        %parallel_loop3A_240 = arith.constant 64 : i32
        %parallel_loop3A_241 = arith.addi %parallel_loop3A_240, %parallel_loop3A_218 : i32
        %parallel_loop3A_242 = arith.index_cast %parallel_loop3A_241 : i32 to index
        %parallel_loop3A_243 = arith.constant 64 : index
        %parallel_loop3A_244 = tpu.vector_load %arg8[%parallel_loop3A_242, %parallel_loop3A_243] {strides = array<i32>} : memref<128x256xbf16, #tpu.memory_space<vmem>>, vector<32xbf16>,
        %parallel_loop3A_245 = arith.mulf %parallel_loop3A_239, %parallel_loop3A_244 : vector<32xbf16>
        %parallel_loop3A_246 = arith.index_cast %parallel_loop3A_218 : i32 to index
        %parallel_loop3A_247 = arith.constant 96 : index
        %parallel_loop3A_248 = tpu.vector_load %arg8[%parallel_loop3A_246, %parallel_loop3A_247] {strides = array<i32>} : memref<128x256xbf16, #tpu.memory_space<vmem>>, vector<32xbf16>,
        %parallel_loop3A_249 = arith.constant 64 : i32
        %parallel_loop3A_250 = arith.addi %parallel_loop3A_249, %parallel_loop3A_218 : i32
        %parallel_loop3A_251 = arith.index_cast %parallel_loop3A_250 : i32 to index
        %parallel_loop3A_252 = arith.constant 96 : index
        %parallel_loop3A_253 = tpu.vector_load %arg8[%parallel_loop3A_251, %parallel_loop3A_252] {strides = array<i32>} : memref<128x256xbf16, #tpu.memory_space<vmem>>, vector<32xbf16>,
        %parallel_loop3A_254 = arith.mulf %parallel_loop3A_248, %parallel_loop3A_253 : vector<32xbf16>
        %parallel_loop3A_255 = arith.index_cast %parallel_loop3A_218 : i32 to index
        %parallel_loop3A_256 = arith.constant 128 : index
        %parallel_loop3A_257 = tpu.vector_load %arg8[%parallel_loop3A_255, %parallel_loop3A_256] {strides = array<i32>} : memref<128x256xbf16, #tpu.memory_space<vmem>>, vector<32xbf16>,
        %parallel_loop3A_258 = arith.constant 64 : i32
        %parallel_loop3A_259 = arith.addi %parallel_loop3A_258, %parallel_loop3A_218 : i32
        %parallel_loop3A_260 = arith.index_cast %parallel_loop3A_259 : i32 to index
        %parallel_loop3A_261 = arith.constant 128 : index
        %parallel_loop3A_262 = tpu.vector_load %arg8[%parallel_loop3A_260, %parallel_loop3A_261] {strides = array<i32>} : memref<128x256xbf16, #tpu.memory_space<vmem>>, vector<32xbf16>,
        %parallel_loop3A_263 = arith.mulf %parallel_loop3A_257, %parallel_loop3A_262 : vector<32xbf16>
        %parallel_loop3A_264 = arith.index_cast %parallel_loop3A_218 : i32 to index
        %parallel_loop3A_265 = arith.constant 160 : index
        %parallel_loop3A_266 = tpu.vector_load %arg8[%parallel_loop3A_264, %parallel_loop3A_265] {strides = array<i32>} : memref<128x256xbf16, #tpu.memory_space<vmem>>, vector<32xbf16>,
        %parallel_loop3A_267 = arith.constant 64 : i32
        %parallel_loop3A_268 = arith.addi %parallel_loop3A_267, %parallel_loop3A_218 : i32
        %parallel_loop3A_269 = arith.index_cast %parallel_loop3A_268 : i32 to index
        %parallel_loop3A_270 = arith.constant 160 : index
        %parallel_loop3A_271 = tpu.vector_load %arg8[%parallel_loop3A_269, %parallel_loop3A_270] {strides = array<i32>} : memref<128x256xbf16, #tpu.memory_space<vmem>>, vector<32xbf16>,
        %parallel_loop3A_272 = arith.mulf %parallel_loop3A_266, %parallel_loop3A_271 : vector<32xbf16>
        %parallel_loop3A_273 = arith.index_cast %parallel_loop3A_218 : i32 to index
        %parallel_loop3A_274 = arith.constant 192 : index
        %parallel_loop3A_275 = tpu.vector_load %arg8[%parallel_loop3A_273, %parallel_loop3A_274] {strides = array<i32>} : memref<128x256xbf16, #tpu.memory_space<vmem>>, vector<32xbf16>,
        %parallel_loop3A_276 = arith.constant 64 : i32
        %parallel_loop3A_277 = arith.addi %parallel_loop3A_276, %parallel_loop3A_218 : i32
        %parallel_loop3A_278 = arith.index_cast %parallel_loop3A_277 : i32 to index
        %parallel_loop3A_279 = arith.constant 192 : index
        %parallel_loop3A_280 = tpu.vector_load %arg8[%parallel_loop3A_278, %parallel_loop3A_279] {strides = array<i32>} : memref<128x256xbf16, #tpu.memory_space<vmem>>, vector<32xbf16>,
        %parallel_loop3A_281 = arith.mulf %parallel_loop3A_275, %parallel_loop3A_280 : vector<32xbf16>
        %parallel_loop3A_282 = arith.index_cast %parallel_loop3A_218 : i32 to index
        %parallel_loop3A_283 = arith.constant 224 : index
        %parallel_loop3A_284 = tpu.vector_load %arg8[%parallel_loop3A_282, %parallel_loop3A_283] {strides = array<i32>} : memref<128x256xbf16, #tpu.memory_space<vmem>>, vector<32xbf16>,
        %parallel_loop3A_285 = arith.constant 64 : i32
        %parallel_loop3A_286 = arith.addi %parallel_loop3A_285, %parallel_loop3A_218 : i32
        %parallel_loop3A_287 = arith.index_cast %parallel_loop3A_286 : i32 to index
        %parallel_loop3A_288 = arith.constant 224 : index
        %parallel_loop3A_289 = tpu.vector_load %arg8[%parallel_loop3A_287, %parallel_loop3A_288] {strides = array<i32>} : memref<128x256xbf16, #tpu.memory_space<vmem>>, vector<32xbf16>,
        %parallel_loop3A_290 = arith.mulf %parallel_loop3A_284, %parallel_loop3A_289 : vector<32xbf16>
        %parallel_loop3A_291 = arith.addf %parallel_loop3A_227, %parallel_loop3A_236 : vector<32xbf16>
        %parallel_loop3A_292 = arith.addf %parallel_loop3A_245, %parallel_loop3A_254 : vector<32xbf16>
        %parallel_loop3A_293 = arith.addf %parallel_loop3A_263, %parallel_loop3A_272 : vector<32xbf16>
        %parallel_loop3A_294 = arith.addf %parallel_loop3A_281, %parallel_loop3A_290 : vector<32xbf16>
        %parallel_loop3A_295 = arith.addf %parallel_loop3A_291, %parallel_loop3A_292 : vector<32xbf16>
        %parallel_loop3A_296 = arith.addf %parallel_loop3A_293, %parallel_loop3A_294 : vector<32xbf16>
        %parallel_loop3A_297 = arith.addf %parallel_loop3A_295, %parallel_loop3A_296 : vector<32xbf16>
        %parallel_loop3A_298 = tpu.unpack_subelements %parallel_loop3A_297, 0 {pack_format = #tpu.pack_format<interleaved>} : vector<32xbf16> -> vector<16xf32>
        %parallel_loop3A_299 = tpu.unpack_subelements %parallel_loop3A_297, 1 {pack_format = #tpu.pack_format<interleaved>} : vector<32xbf16> -> vector<16xf32>
        %parallel_loop3A_300 = arith.addf %parallel_loop3A_298, %parallel_loop3A_299 : vector<16xf32>
        %parallel_loop3A_301 = arith.constant 16 : i32
        %parallel_loop3A_302 = arith.muli %parallel_loop3A_218, %parallel_loop3A_301 : i32
        %parallel_loop3A_303 = arith.index_cast %parallel_loop3A_302 : i32 to index
        %parallel_loop3A_304 = tpu.vector_load %arg10[%parallel_loop3A_303] {strides = array<i32>} : memref<1024xf32, #tpu.memory_space<vmem>>, vector<16xf32>,
        tpu.vector_store %arg10[%parallel_loop3A_303], %parallel_loop3A_300 {strides = array<i32>} : memref<1024xf32, #tpu.memory_space<vmem>>, vector<16xf32>,
      } {sc.loop_unroll_factor = 4 : i64, sc.parallel_access}
      %parallel_loop3A_143 = arith.constant 0 : i32
      %parallel_loop3A_144 = arith.constant 4 : i32
      %parallel_loop3A_145 = arith.constant 1 : i32
      scf.for %parallel_loop3A_218 = %parallel_loop3A_143 to %parallel_loop3A_144 step %parallel_loop3A_145  : i32 {
        %parallel_loop3A_219 = arith.constant 16 : i32
        %parallel_loop3A_220 = arith.muli %parallel_loop3A_218, %parallel_loop3A_219 : i32
        %parallel_loop3A_221 = vector.broadcast %parallel_loop3A_220 : i32 to vector<16xi32>
        %parallel_loop3A_222 = arith.addi %parallel_loop3A_221, %iota3A : vector<16xi32>
        %parallel_loop3A_223 = arith.constant 16 : i32
        %parallel_loop3A_224 = vector.broadcast %parallel_loop3A_223 : i32 to vector<16xi32>
        %parallel_loop3A_225 = arith.muli %parallel_loop3A_222, %parallel_loop3A_224 : vector<16xi32>
        %parallel_loop3A_226 = tpu.vector_load_idx %arg10[%parallel_loop3A_225] : memref<1024xf32, #tpu.memory_space<vmem>>[vector<16xi32>], vector<16xf32>,
        %parallel_loop3A_227 = arith.constant 1 : i32
        %parallel_loop3A_228 = vector.broadcast %parallel_loop3A_227 : i32 to vector<16xi32>
        %parallel_loop3A_229 = arith.addi %parallel_loop3A_225, %parallel_loop3A_228 : vector<16xi32>
        %parallel_loop3A_230 = tpu.vector_load_idx %arg10[%parallel_loop3A_229] : memref<1024xf32, #tpu.memory_space<vmem>>[vector<16xi32>], vector<16xf32>,
        %parallel_loop3A_231 = arith.addf %parallel_loop3A_226, %parallel_loop3A_230 : vector<16xf32>
        %parallel_loop3A_232 = arith.constant 2 : i32
        %parallel_loop3A_233 = vector.broadcast %parallel_loop3A_232 : i32 to vector<16xi32>
        %parallel_loop3A_234 = arith.addi %parallel_loop3A_225, %parallel_loop3A_233 : vector<16xi32>
        %parallel_loop3A_235 = tpu.vector_load_idx %arg10[%parallel_loop3A_234] : memref<1024xf32, #tpu.memory_space<vmem>>[vector<16xi32>], vector<16xf32>,
        %parallel_loop3A_236 = arith.addf %parallel_loop3A_231, %parallel_loop3A_235 : vector<16xf32>
        %parallel_loop3A_237 = arith.constant 3 : i32
        %parallel_loop3A_238 = vector.broadcast %parallel_loop3A_237 : i32 to vector<16xi32>
        %parallel_loop3A_239 = arith.addi %parallel_loop3A_225, %parallel_loop3A_238 : vector<16xi32>
        %parallel_loop3A_240 = tpu.vector_load_idx %arg10[%parallel_loop3A_239] : memref<1024xf32, #tpu.memory_space<vmem>>[vector<16xi32>], vector<16xf32>,
        %parallel_loop3A_241 = arith.addf %parallel_loop3A_236, %parallel_loop3A_240 : vector<16xf32>
        %parallel_loop3A_242 = arith.constant 4 : i32
        %parallel_loop3A_243 = vector.broadcast %parallel_loop3A_242 : i32 to vector<16xi32>
        %parallel_loop3A_244 = arith.addi %parallel_loop3A_225, %parallel_loop3A_243 : vector<16xi32>
        %parallel_loop3A_245 = tpu.vector_load_idx %arg10[%parallel_loop3A_244] : memref<1024xf32, #tpu.memory_space<vmem>>[vector<16xi32>], vector<16xf32>,
        %parallel_loop3A_246 = arith.addf %parallel_loop3A_241, %parallel_loop3A_245 : vector<16xf32>
        %parallel_loop3A_247 = arith.constant 5 : i32
        %parallel_loop3A_248 = vector.broadcast %parallel_loop3A_247 : i32 to vector<16xi32>
        %parallel_loop3A_249 = arith.addi %parallel_loop3A_225, %parallel_loop3A_248 : vector<16xi32>
        %parallel_loop3A_250 = tpu.vector_load_idx %arg10[%parallel_loop3A_249] : memref<1024xf32, #tpu.memory_space<vmem>>[vector<16xi32>], vector<16xf32>,
        %parallel_loop3A_251 = arith.addf %parallel_loop3A_246, %parallel_loop3A_250 : vector<16xf32>
        %parallel_loop3A_252 = arith.constant 6 : i32
        %parallel_loop3A_253 = vector.broadcast %parallel_loop3A_252 : i32 to vector<16xi32>
        %parallel_loop3A_254 = arith.addi %parallel_loop3A_225, %parallel_loop3A_253 : vector<16xi32>
        %parallel_loop3A_255 = tpu.vector_load_idx %arg10[%parallel_loop3A_254] : memref<1024xf32, #tpu.memory_space<vmem>>[vector<16xi32>], vector<16xf32>,
        %parallel_loop3A_256 = arith.addf %parallel_loop3A_251, %parallel_loop3A_255 : vector<16xf32>
        %parallel_loop3A_257 = arith.constant 7 : i32
        %parallel_loop3A_258 = vector.broadcast %parallel_loop3A_257 : i32 to vector<16xi32>
        %parallel_loop3A_259 = arith.addi %parallel_loop3A_225, %parallel_loop3A_258 : vector<16xi32>
        %parallel_loop3A_260 = tpu.vector_load_idx %arg10[%parallel_loop3A_259] : memref<1024xf32, #tpu.memory_space<vmem>>[vector<16xi32>], vector<16xf32>,
        %parallel_loop3A_261 = arith.addf %parallel_loop3A_256, %parallel_loop3A_260 : vector<16xf32>
        %parallel_loop3A_262 = arith.constant 8 : i32
        %parallel_loop3A_263 = vector.broadcast %parallel_loop3A_262 : i32 to vector<16xi32>
        %parallel_loop3A_264 = arith.addi %parallel_loop3A_225, %parallel_loop3A_263 : vector<16xi32>
        %parallel_loop3A_265 = tpu.vector_load_idx %arg10[%parallel_loop3A_264] : memref<1024xf32, #tpu.memory_space<vmem>>[vector<16xi32>], vector<16xf32>,
        %parallel_loop3A_266 = arith.addf %parallel_loop3A_261, %parallel_loop3A_265 : vector<16xf32>
        %parallel_loop3A_267 = arith.constant 9 : i32
        %parallel_loop3A_268 = vector.broadcast %parallel_loop3A_267 : i32 to vector<16xi32>
        %parallel_loop3A_269 = arith.addi %parallel_loop3A_225, %parallel_loop3A_268 : vector<16xi32>
        %parallel_loop3A_270 = tpu.vector_load_idx %arg10[%parallel_loop3A_269] : memref<1024xf32, #tpu.memory_space<vmem>>[vector<16xi32>], vector<16xf32>,
        %parallel_loop3A_271 = arith.addf %parallel_loop3A_266, %parallel_loop3A_270 : vector<16xf32>
        %parallel_loop3A_272 = arith.constant 10 : i32
        %parallel_loop3A_273 = vector.broadcast %parallel_loop3A_272 : i32 to vector<16xi32>
        %parallel_loop3A_274 = arith.addi %parallel_loop3A_225, %parallel_loop3A_273 : vector<16xi32>
        %parallel_loop3A_275 = tpu.vector_load_idx %arg10[%parallel_loop3A_274] : memref<1024xf32, #tpu.memory_space<vmem>>[vector<16xi32>], vector<16xf32>,
        %parallel_loop3A_276 = arith.addf %parallel_loop3A_271, %parallel_loop3A_275 : vector<16xf32>
        %parallel_loop3A_277 = arith.constant 11 : i32
        %parallel_loop3A_278 = vector.broadcast %parallel_loop3A_277 : i32 to vector<16xi32>
        %parallel_loop3A_279 = arith.addi %parallel_loop3A_225, %parallel_loop3A_278 : vector<16xi32>
        %parallel_loop3A_280 = tpu.vector_load_idx %arg10[%parallel_loop3A_279] : memref<1024xf32, #tpu.memory_space<vmem>>[vector<16xi32>], vector<16xf32>,
        %parallel_loop3A_281 = arith.addf %parallel_loop3A_276, %parallel_loop3A_280 : vector<16xf32>
        %parallel_loop3A_282 = arith.constant 12 : i32
        %parallel_loop3A_283 = vector.broadcast %parallel_loop3A_282 : i32 to vector<16xi32>
        %parallel_loop3A_284 = arith.addi %parallel_loop3A_225, %parallel_loop3A_283 : vector<16xi32>
        %parallel_loop3A_285 = tpu.vector_load_idx %arg10[%parallel_loop3A_284] : memref<1024xf32, #tpu.memory_space<vmem>>[vector<16xi32>], vector<16xf32>,
        %parallel_loop3A_286 = arith.addf %parallel_loop3A_281, %parallel_loop3A_285 : vector<16xf32>
        %parallel_loop3A_287 = arith.constant 13 : i32
        %parallel_loop3A_288 = vector.broadcast %parallel_loop3A_287 : i32 to vector<16xi32>
        %parallel_loop3A_289 = arith.addi %parallel_loop3A_225, %parallel_loop3A_288 : vector<16xi32>
        %parallel_loop3A_290 = tpu.vector_load_idx %arg10[%parallel_loop3A_289] : memref<1024xf32, #tpu.memory_space<vmem>>[vector<16xi32>], vector<16xf32>,
        %parallel_loop3A_291 = arith.addf %parallel_loop3A_286, %parallel_loop3A_290 : vector<16xf32>
        %parallel_loop3A_292 = arith.constant 14 : i32
        %parallel_loop3A_293 = vector.broadcast %parallel_loop3A_292 : i32 to vector<16xi32>
        %parallel_loop3A_294 = arith.addi %parallel_loop3A_225, %parallel_loop3A_293 : vector<16xi32>
        %parallel_loop3A_295 = tpu.vector_load_idx %arg10[%parallel_loop3A_294] : memref<1024xf32, #tpu.memory_space<vmem>>[vector<16xi32>], vector<16xf32>,
        %parallel_loop3A_296 = arith.addf %parallel_loop3A_291, %parallel_loop3A_295 : vector<16xf32>
        %parallel_loop3A_297 = arith.constant 15 : i32
        %parallel_loop3A_298 = vector.broadcast %parallel_loop3A_297 : i32 to vector<16xi32>
        %parallel_loop3A_299 = arith.addi %parallel_loop3A_225, %parallel_loop3A_298 : vector<16xi32>
        %parallel_loop3A_300 = tpu.vector_load_idx %arg10[%parallel_loop3A_299] : memref<1024xf32, #tpu.memory_space<vmem>>[vector<16xi32>], vector<16xf32>,
        %parallel_loop3A_301 = arith.addf %parallel_loop3A_296, %parallel_loop3A_300 : vector<16xf32>
        %parallel_loop3A_302 = arith.constant 16 : i32
        %parallel_loop3A_303 = arith.muli %parallel_loop3A_218, %parallel_loop3A_302 : i32
        %parallel_loop3A_304 = arith.index_cast %parallel_loop3A_303 : i32 to index
        %parallel_loop3A_305 = tpu.vector_load %arg11[%parallel_loop3A_304] {strides = array<i32>} : memref<64xf32, #tpu.memory_space<vmem>>, vector<16xf32>,
        tpu.vector_store %arg11[%parallel_loop3A_304], %parallel_loop3A_301 {strides = array<i32>} : memref<64xf32, #tpu.memory_space<vmem>>, vector<16xf32>,
      } {sc.loop_unroll_factor = 2 : i64, sc.parallel_access}
      %mul3A_146 = arith.constant 32 : i32
      %mul3A_147 = arith.muli %mul3A_89, %mul3A_146 : i32
      %add3A_148 = arith.addi %add3A, %mul3A_147 : i32
      %min3A_149 = arith.constant 2499 : i32
      %min3A_150 = arith.minsi %add3A_148, %min3A_149 : i32
      %mul3A_151 = arith.constant 64 : i32
      %mul3A_152 = arith.muli %min3A_150, %mul3A_151 : i32
      %dma_start3A_153 = tpu.memref_slice %arg5[%mul3A_152] : memref<160000xf32, #tpu.memory_space<hbm>> -> memref<64xf32, #tpu.memory_space<hbm>>
      %dma_start3A_154 = tpu.memref_slice %arg5[%mul3A_152] : memref<160000xf32, #tpu.memory_space<hbm>> -> memref<64xf32, #tpu.memory_space<hbm>>
      tpu.enqueue_dma source(%arg11 : memref<64xf32, #tpu.memory_space<vmem>>) target(%dma_start3A_154 : memref<64xf32, #tpu.memory_space<hbm>>) target_semaphore(%arg19 : memref<!tpu.dma_semaphore, #tpu.memory_space<semaphore_mem>>)
      %dma_wait3A_155 = arith.constant 0 : i32
      %dma_wait3A_156 = arith.constant 0 : i32
      %dma_wait3A_157 = tpu.memref_slice %arg13[%dma_wait3A_155, %dma_wait3A_156] : memref<10000x256xbf16, #tpu.memory_space<vmem_shared>> -> memref<10000x256xbf16, #tpu.memory_space<vmem_shared>>
      tpu.wait_indirect_dma semaphore(%arg18 : memref<!tpu.dma_semaphore, #tpu.memory_space<semaphore_mem>>) src(%dma_wait3A_157 : memref<10000x256xbf16, #tpu.memory_space<vmem_shared>>) dst(%arg9 : memref<128x256xbf16, #tpu.memory_space<vmem>>)
      %dma_wait3A_158 = arith.constant 0 : i32
      %dma_wait3A_159 = tpu.memref_slice %arg6[%dma_wait3A_158] : memref<128xi32, #tpu.memory_space<vmem>> -> memref<64xi32, #tpu.memory_space<vmem>>
      %dma_wait3A_160 = arith.constant 0 : i32
      %dma_wait3A_161 = tpu.memref_slice %arg3[%dma_wait3A_160] : memref<160000xi32, #tpu.memory_space<hbm>> -> memref<64xi32, #tpu.memory_space<hbm>>
      %dma_wait3A_162 = arith.constant 0 : i32
      %dma_wait3A_163 = tpu.memref_slice %arg6[%dma_wait3A_162] : memref<128xi32, #tpu.memory_space<vmem>> -> memref<64xi32, #tpu.memory_space<vmem>>
      %dma_wait3A_164 = arith.constant 0 : i32
      %dma_wait3A_165 = tpu.memref_slice %arg3[%dma_wait3A_164] : memref<160000xi32, #tpu.memory_space<hbm>> -> memref<64xi32, #tpu.memory_space<hbm>>
      tpu.wait_dma2 semaphore(%arg15 : memref<!tpu.dma_semaphore, #tpu.memory_space<semaphore_mem>>) src(%dma_wait3A_165 : memref<64xi32, #tpu.memory_space<hbm>>) dst(%dma_wait3A_163 : memref<64xi32, #tpu.memory_space<vmem>>)
      %dma_wait3A_166 = arith.constant 64 : i32
      %dma_wait3A_167 = tpu.memref_slice %arg6[%dma_wait3A_166] : memref<128xi32, #tpu.memory_space<vmem>> -> memref<64xi32, #tpu.memory_space<vmem>>
      %dma_wait3A_168 = arith.constant 0 : i32
      %dma_wait3A_169 = tpu.memref_slice %arg4[%dma_wait3A_168] : memref<160000xi32, #tpu.memory_space<hbm>> -> memref<64xi32, #tpu.memory_space<hbm>>
      %dma_wait3A_170 = arith.constant 64 : i32
      %dma_wait3A_171 = tpu.memref_slice %arg6[%dma_wait3A_170] : memref<128xi32, #tpu.memory_space<vmem>> -> memref<64xi32, #tpu.memory_space<vmem>>
      %dma_wait3A_172 = arith.constant 0 : i32
      %dma_wait3A_173 = tpu.memref_slice %arg4[%dma_wait3A_172] : memref<160000xi32, #tpu.memory_space<hbm>> -> memref<64xi32, #tpu.memory_space<hbm>>
      tpu.wait_dma2 semaphore(%arg15 : memref<!tpu.dma_semaphore, #tpu.memory_space<semaphore_mem>>) src(%dma_wait3A_173 : memref<64xi32, #tpu.memory_space<hbm>>) dst(%dma_wait3A_171 : memref<64xi32, #tpu.memory_space<vmem>>)
      %dma_start3A_174 = arith.constant 0 : i32
      %dma_start3A_175 = arith.constant 0 : i32
      %dma_start3A_176 = tpu.memref_slice %arg13[%dma_start3A_174, %dma_start3A_175] : memref<10000x256xbf16, #tpu.memory_space<vmem_shared>> -> memref<10000x256xbf16, #tpu.memory_space<vmem_shared>>
      tpu.enqueue_indirect_dma source(%dma_start3A_176 : memref<10000x256xbf16, #tpu.memory_space<vmem_shared>>) target(%arg8 : memref<128x256xbf16, #tpu.memory_space<vmem>>) offsets(%arg6 : memref<128xi32, #tpu.memory_space<vmem>>) semaphore(%arg17 : memref<!tpu.dma_semaphore, #tpu.memory_space<semaphore_mem>>)
      %add3A_177 = arith.constant 2 : i32
      %add3A_178 = arith.addi %add3A_93, %add3A_177 : i32
      %mul3A_179 = arith.constant 32 : i32
      %mul3A_180 = arith.muli %add3A_178, %mul3A_179 : i32
      %add3A_181 = arith.addi %add3A, %mul3A_180 : i32
      %min3A_182 = arith.constant 2499 : i32
      %min3A_183 = arith.minsi %add3A_181, %min3A_182 : i32
      %mul3A_184 = arith.constant 64 : i32
      %mul3A_185 = arith.muli %min3A_183, %mul3A_184 : i32
      %dma_start3A_186 = arith.constant 0 : i32
      %dma_start3A_187 = tpu.memref_slice %arg7[%dma_start3A_186] : memref<128xi32, #tpu.memory_space<vmem>> -> memref<64xi32, #tpu.memory_space<vmem>>
      %dma_start3A_188 = tpu.memref_slice %arg3[%mul3A_185] : memref<160000xi32, #tpu.memory_space<hbm>> -> memref<64xi32, #tpu.memory_space<hbm>>
      %dma_start3A_189 = arith.constant 0 : i32
      %dma_start3A_190 = tpu.memref_slice %arg7[%dma_start3A_189] : memref<128xi32, #tpu.memory_space<vmem>> -> memref<64xi32, #tpu.memory_space<vmem>>
      %dma_start3A_191 = tpu.memref_slice %arg3[%mul3A_185] : memref<160000xi32, #tpu.memory_space<hbm>> -> memref<64xi32, #tpu.memory_space<hbm>>
      tpu.enqueue_dma source(%dma_start3A_191 : memref<64xi32, #tpu.memory_space<hbm>>) target(%dma_start3A_190 : memref<64xi32, #tpu.memory_space<vmem>>) target_semaphore(%arg16 : memref<!tpu.dma_semaphore, #tpu.memory_space<semaphore_mem>>)
      %dma_start3A_192 = arith.constant 64 : i32
      %dma_start3A_193 = tpu.memref_slice %arg7[%dma_start3A_192] : memref<128xi32, #tpu.memory_space<vmem>> -> memref<64xi32, #tpu.memory_space<vmem>>
      %dma_start3A_194 = tpu.memref_slice %arg4[%mul3A_185] : memref<160000xi32, #tpu.memory_space<hbm>> -> memref<64xi32, #tpu.memory_space<hbm>>
      %dma_start3A_195 = arith.constant 64 : i32
      %dma_start3A_196 = tpu.memref_slice %arg7[%dma_start3A_195] : memref<128xi32, #tpu.memory_space<vmem>> -> memref<64xi32, #tpu.memory_space<vmem>>
      %dma_start3A_197 = tpu.memref_slice %arg4[%mul3A_185] : memref<160000xi32, #tpu.memory_space<hbm>> -> memref<64xi32, #tpu.memory_space<hbm>>
      tpu.enqueue_dma source(%dma_start3A_197 : memref<64xi32, #tpu.memory_space<hbm>>) target(%dma_start3A_196 : memref<64xi32, #tpu.memory_space<vmem>>) target_semaphore(%arg16 : memref<!tpu.dma_semaphore, #tpu.memory_space<semaphore_mem>>)
      %gt3A_198 = arith.constant 0 : i32
      %gt3A_199 = arith.cmpi sgt, %scan3A_87, %gt3A_198 : i32
      %convert_element_type3A_200 = arith.extui %gt3A_199 : i1 to i32
      %cond3A_201 = arith.constant 0 : i32
      %cond3A_202 = arith.cmpi ne, %convert_element_type3A_200, %cond3A_201 : i32
      scf.if %cond3A_202 {
        %dma_wait3A_218 = arith.constant 0 : i32
        %dma_wait3A_219 = tpu.memref_slice %arg5[%dma_wait3A_218] : memref<160000xf32, #tpu.memory_space<hbm>> -> memref<64xf32, #tpu.memory_space<hbm>>
        %dma_wait3A_220 = arith.constant 0 : i32
        %dma_wait3A_221 = tpu.memref_slice %arg5[%dma_wait3A_220] : memref<160000xf32, #tpu.memory_space<hbm>> -> memref<64xf32, #tpu.memory_space<hbm>>
        tpu.wait_dma2 semaphore(%arg20 : memref<!tpu.dma_semaphore, #tpu.memory_space<semaphore_mem>>) src(%arg12 : memref<64xf32, #tpu.memory_space<vmem>>) dst(%dma_wait3A_221 : memref<64xf32, #tpu.memory_space<hbm>>)
      } else {
      }
      %parallel_loop3A_203 = arith.constant 0 : i32
      %parallel_loop3A_204 = arith.constant 64 : i32
      %parallel_loop3A_205 = arith.constant 1 : i32
      scf.for %parallel_loop3A_218 = %parallel_loop3A_203 to %parallel_loop3A_204 step %parallel_loop3A_205  : i32 {
        %parallel_loop3A_219 = arith.index_cast %parallel_loop3A_218 : i32 to index
        %parallel_loop3A_220 = arith.constant 0 : index
        %parallel_loop3A_221 = tpu.vector_load %arg9[%parallel_loop3A_219, %parallel_loop3A_220] {strides = array<i32>} : memref<128x256xbf16, #tpu.memory_space<vmem>>, vector<32xbf16>,
        %parallel_loop3A_222 = arith.constant 64 : i32
        %parallel_loop3A_223 = arith.addi %parallel_loop3A_222, %parallel_loop3A_218 : i32
        %parallel_loop3A_224 = arith.index_cast %parallel_loop3A_223 : i32 to index
        %parallel_loop3A_225 = arith.constant 0 : index
        %parallel_loop3A_226 = tpu.vector_load %arg9[%parallel_loop3A_224, %parallel_loop3A_225] {strides = array<i32>} : memref<128x256xbf16, #tpu.memory_space<vmem>>, vector<32xbf16>,
        %parallel_loop3A_227 = arith.mulf %parallel_loop3A_221, %parallel_loop3A_226 : vector<32xbf16>
        %parallel_loop3A_228 = arith.index_cast %parallel_loop3A_218 : i32 to index
        %parallel_loop3A_229 = arith.constant 32 : index
        %parallel_loop3A_230 = tpu.vector_load %arg9[%parallel_loop3A_228, %parallel_loop3A_229] {strides = array<i32>} : memref<128x256xbf16, #tpu.memory_space<vmem>>, vector<32xbf16>,
        %parallel_loop3A_231 = arith.constant 64 : i32
        %parallel_loop3A_232 = arith.addi %parallel_loop3A_231, %parallel_loop3A_218 : i32
        %parallel_loop3A_233 = arith.index_cast %parallel_loop3A_232 : i32 to index
        %parallel_loop3A_234 = arith.constant 32 : index
        %parallel_loop3A_235 = tpu.vector_load %arg9[%parallel_loop3A_233, %parallel_loop3A_234] {strides = array<i32>} : memref<128x256xbf16, #tpu.memory_space<vmem>>, vector<32xbf16>,
        %parallel_loop3A_236 = arith.mulf %parallel_loop3A_230, %parallel_loop3A_235 : vector<32xbf16>
        %parallel_loop3A_237 = arith.index_cast %parallel_loop3A_218 : i32 to index
        %parallel_loop3A_238 = arith.constant 64 : index
        %parallel_loop3A_239 = tpu.vector_load %arg9[%parallel_loop3A_237, %parallel_loop3A_238] {strides = array<i32>} : memref<128x256xbf16, #tpu.memory_space<vmem>>, vector<32xbf16>,
        %parallel_loop3A_240 = arith.constant 64 : i32
        %parallel_loop3A_241 = arith.addi %parallel_loop3A_240, %parallel_loop3A_218 : i32
        %parallel_loop3A_242 = arith.index_cast %parallel_loop3A_241 : i32 to index
        %parallel_loop3A_243 = arith.constant 64 : index
        %parallel_loop3A_244 = tpu.vector_load %arg9[%parallel_loop3A_242, %parallel_loop3A_243] {strides = array<i32>} : memref<128x256xbf16, #tpu.memory_space<vmem>>, vector<32xbf16>,
        %parallel_loop3A_245 = arith.mulf %parallel_loop3A_239, %parallel_loop3A_244 : vector<32xbf16>
        %parallel_loop3A_246 = arith.index_cast %parallel_loop3A_218 : i32 to index
        %parallel_loop3A_247 = arith.constant 96 : index
        %parallel_loop3A_248 = tpu.vector_load %arg9[%parallel_loop3A_246, %parallel_loop3A_247] {strides = array<i32>} : memref<128x256xbf16, #tpu.memory_space<vmem>>, vector<32xbf16>,
        %parallel_loop3A_249 = arith.constant 64 : i32
        %parallel_loop3A_250 = arith.addi %parallel_loop3A_249, %parallel_loop3A_218 : i32
        %parallel_loop3A_251 = arith.index_cast %parallel_loop3A_250 : i32 to index
        %parallel_loop3A_252 = arith.constant 96 : index
        %parallel_loop3A_253 = tpu.vector_load %arg9[%parallel_loop3A_251, %parallel_loop3A_252] {strides = array<i32>} : memref<128x256xbf16, #tpu.memory_space<vmem>>, vector<32xbf16>,
        %parallel_loop3A_254 = arith.mulf %parallel_loop3A_248, %parallel_loop3A_253 : vector<32xbf16>
        %parallel_loop3A_255 = arith.index_cast %parallel_loop3A_218 : i32 to index
        %parallel_loop3A_256 = arith.constant 128 : index
        %parallel_loop3A_257 = tpu.vector_load %arg9[%parallel_loop3A_255, %parallel_loop3A_256] {strides = array<i32>} : memref<128x256xbf16, #tpu.memory_space<vmem>>, vector<32xbf16>,
        %parallel_loop3A_258 = arith.constant 64 : i32
        %parallel_loop3A_259 = arith.addi %parallel_loop3A_258, %parallel_loop3A_218 : i32
        %parallel_loop3A_260 = arith.index_cast %parallel_loop3A_259 : i32 to index
        %parallel_loop3A_261 = arith.constant 128 : index
        %parallel_loop3A_262 = tpu.vector_load %arg9[%parallel_loop3A_260, %parallel_loop3A_261] {strides = array<i32>} : memref<128x256xbf16, #tpu.memory_space<vmem>>, vector<32xbf16>,
        %parallel_loop3A_263 = arith.mulf %parallel_loop3A_257, %parallel_loop3A_262 : vector<32xbf16>
        %parallel_loop3A_264 = arith.index_cast %parallel_loop3A_218 : i32 to index
        %parallel_loop3A_265 = arith.constant 160 : index
        %parallel_loop3A_266 = tpu.vector_load %arg9[%parallel_loop3A_264, %parallel_loop3A_265] {strides = array<i32>} : memref<128x256xbf16, #tpu.memory_space<vmem>>, vector<32xbf16>,
        %parallel_loop3A_267 = arith.constant 64 : i32
        %parallel_loop3A_268 = arith.addi %parallel_loop3A_267, %parallel_loop3A_218 : i32
        %parallel_loop3A_269 = arith.index_cast %parallel_loop3A_268 : i32 to index
        %parallel_loop3A_270 = arith.constant 160 : index
        %parallel_loop3A_271 = tpu.vector_load %arg9[%parallel_loop3A_269, %parallel_loop3A_270] {strides = array<i32>} : memref<128x256xbf16, #tpu.memory_space<vmem>>, vector<32xbf16>,
        %parallel_loop3A_272 = arith.mulf %parallel_loop3A_266, %parallel_loop3A_271 : vector<32xbf16>
        %parallel_loop3A_273 = arith.index_cast %parallel_loop3A_218 : i32 to index
        %parallel_loop3A_274 = arith.constant 192 : index
        %parallel_loop3A_275 = tpu.vector_load %arg9[%parallel_loop3A_273, %parallel_loop3A_274] {strides = array<i32>} : memref<128x256xbf16, #tpu.memory_space<vmem>>, vector<32xbf16>,
        %parallel_loop3A_276 = arith.constant 64 : i32
        %parallel_loop3A_277 = arith.addi %parallel_loop3A_276, %parallel_loop3A_218 : i32
        %parallel_loop3A_278 = arith.index_cast %parallel_loop3A_277 : i32 to index
        %parallel_loop3A_279 = arith.constant 192 : index
        %parallel_loop3A_280 = tpu.vector_load %arg9[%parallel_loop3A_278, %parallel_loop3A_279] {strides = array<i32>} : memref<128x256xbf16, #tpu.memory_space<vmem>>, vector<32xbf16>,
        %parallel_loop3A_281 = arith.mulf %parallel_loop3A_275, %parallel_loop3A_280 : vector<32xbf16>
        %parallel_loop3A_282 = arith.index_cast %parallel_loop3A_218 : i32 to index
        %parallel_loop3A_283 = arith.constant 224 : index
        %parallel_loop3A_284 = tpu.vector_load %arg9[%parallel_loop3A_282, %parallel_loop3A_283] {strides = array<i32>} : memref<128x256xbf16, #tpu.memory_space<vmem>>, vector<32xbf16>,
        %parallel_loop3A_285 = arith.constant 64 : i32
        %parallel_loop3A_286 = arith.addi %parallel_loop3A_285, %parallel_loop3A_218 : i32
        %parallel_loop3A_287 = arith.index_cast %parallel_loop3A_286 : i32 to index
        %parallel_loop3A_288 = arith.constant 224 : index
        %parallel_loop3A_289 = tpu.vector_load %arg9[%parallel_loop3A_287, %parallel_loop3A_288] {strides = array<i32>} : memref<128x256xbf16, #tpu.memory_space<vmem>>, vector<32xbf16>,
        %parallel_loop3A_290 = arith.mulf %parallel_loop3A_284, %parallel_loop3A_289 : vector<32xbf16>
        %parallel_loop3A_291 = arith.addf %parallel_loop3A_227, %parallel_loop3A_236 : vector<32xbf16>
        %parallel_loop3A_292 = arith.addf %parallel_loop3A_245, %parallel_loop3A_254 : vector<32xbf16>
        %parallel_loop3A_293 = arith.addf %parallel_loop3A_263, %parallel_loop3A_272 : vector<32xbf16>
        %parallel_loop3A_294 = arith.addf %parallel_loop3A_281, %parallel_loop3A_290 : vector<32xbf16>
        %parallel_loop3A_295 = arith.addf %parallel_loop3A_291, %parallel_loop3A_292 : vector<32xbf16>
        %parallel_loop3A_296 = arith.addf %parallel_loop3A_293, %parallel_loop3A_294 : vector<32xbf16>
        %parallel_loop3A_297 = arith.addf %parallel_loop3A_295, %parallel_loop3A_296 : vector<32xbf16>
        %parallel_loop3A_298 = tpu.unpack_subelements %parallel_loop3A_297, 0 {pack_format = #tpu.pack_format<interleaved>} : vector<32xbf16> -> vector<16xf32>
        %parallel_loop3A_299 = tpu.unpack_subelements %parallel_loop3A_297, 1 {pack_format = #tpu.pack_format<interleaved>} : vector<32xbf16> -> vector<16xf32>
        %parallel_loop3A_300 = arith.addf %parallel_loop3A_298, %parallel_loop3A_299 : vector<16xf32>
        %parallel_loop3A_301 = arith.constant 16 : i32
        %parallel_loop3A_302 = arith.muli %parallel_loop3A_218, %parallel_loop3A_301 : i32
        %parallel_loop3A_303 = arith.index_cast %parallel_loop3A_302 : i32 to index
        %parallel_loop3A_304 = tpu.vector_load %arg10[%parallel_loop3A_303] {strides = array<i32>} : memref<1024xf32, #tpu.memory_space<vmem>>, vector<16xf32>,
        tpu.vector_store %arg10[%parallel_loop3A_303], %parallel_loop3A_300 {strides = array<i32>} : memref<1024xf32, #tpu.memory_space<vmem>>, vector<16xf32>,
      } {sc.loop_unroll_factor = 4 : i64, sc.parallel_access}
      %parallel_loop3A_206 = arith.constant 0 : i32
      %parallel_loop3A_207 = arith.constant 4 : i32
      %parallel_loop3A_208 = arith.constant 1 : i32
      scf.for %parallel_loop3A_218 = %parallel_loop3A_206 to %parallel_loop3A_207 step %parallel_loop3A_208  : i32 {
        %parallel_loop3A_219 = arith.constant 16 : i32
        %parallel_loop3A_220 = arith.muli %parallel_loop3A_218, %parallel_loop3A_219 : i32
        %parallel_loop3A_221 = vector.broadcast %parallel_loop3A_220 : i32 to vector<16xi32>
        %parallel_loop3A_222 = arith.addi %parallel_loop3A_221, %iota3A : vector<16xi32>
        %parallel_loop3A_223 = arith.constant 16 : i32
        %parallel_loop3A_224 = vector.broadcast %parallel_loop3A_223 : i32 to vector<16xi32>
        %parallel_loop3A_225 = arith.muli %parallel_loop3A_222, %parallel_loop3A_224 : vector<16xi32>
        %parallel_loop3A_226 = tpu.vector_load_idx %arg10[%parallel_loop3A_225] : memref<1024xf32, #tpu.memory_space<vmem>>[vector<16xi32>], vector<16xf32>,
        %parallel_loop3A_227 = arith.constant 1 : i32
        %parallel_loop3A_228 = vector.broadcast %parallel_loop3A_227 : i32 to vector<16xi32>
        %parallel_loop3A_229 = arith.addi %parallel_loop3A_225, %parallel_loop3A_228 : vector<16xi32>
        %parallel_loop3A_230 = tpu.vector_load_idx %arg10[%parallel_loop3A_229] : memref<1024xf32, #tpu.memory_space<vmem>>[vector<16xi32>], vector<16xf32>,
        %parallel_loop3A_231 = arith.addf %parallel_loop3A_226, %parallel_loop3A_230 : vector<16xf32>
        %parallel_loop3A_232 = arith.constant 2 : i32
        %parallel_loop3A_233 = vector.broadcast %parallel_loop3A_232 : i32 to vector<16xi32>
        %parallel_loop3A_234 = arith.addi %parallel_loop3A_225, %parallel_loop3A_233 : vector<16xi32>
        %parallel_loop3A_235 = tpu.vector_load_idx %arg10[%parallel_loop3A_234] : memref<1024xf32, #tpu.memory_space<vmem>>[vector<16xi32>], vector<16xf32>,
        %parallel_loop3A_236 = arith.addf %parallel_loop3A_231, %parallel_loop3A_235 : vector<16xf32>
        %parallel_loop3A_237 = arith.constant 3 : i32
        %parallel_loop3A_238 = vector.broadcast %parallel_loop3A_237 : i32 to vector<16xi32>
        %parallel_loop3A_239 = arith.addi %parallel_loop3A_225, %parallel_loop3A_238 : vector<16xi32>
        %parallel_loop3A_240 = tpu.vector_load_idx %arg10[%parallel_loop3A_239] : memref<1024xf32, #tpu.memory_space<vmem>>[vector<16xi32>], vector<16xf32>,
        %parallel_loop3A_241 = arith.addf %parallel_loop3A_236, %parallel_loop3A_240 : vector<16xf32>
        %parallel_loop3A_242 = arith.constant 4 : i32
        %parallel_loop3A_243 = vector.broadcast %parallel_loop3A_242 : i32 to vector<16xi32>
        %parallel_loop3A_244 = arith.addi %parallel_loop3A_225, %parallel_loop3A_243 : vector<16xi32>
        %parallel_loop3A_245 = tpu.vector_load_idx %arg10[%parallel_loop3A_244] : memref<1024xf32, #tpu.memory_space<vmem>>[vector<16xi32>], vector<16xf32>,
        %parallel_loop3A_246 = arith.addf %parallel_loop3A_241, %parallel_loop3A_245 : vector<16xf32>
        %parallel_loop3A_247 = arith.constant 5 : i32
        %parallel_loop3A_248 = vector.broadcast %parallel_loop3A_247 : i32 to vector<16xi32>
        %parallel_loop3A_249 = arith.addi %parallel_loop3A_225, %parallel_loop3A_248 : vector<16xi32>
        %parallel_loop3A_250 = tpu.vector_load_idx %arg10[%parallel_loop3A_249] : memref<1024xf32, #tpu.memory_space<vmem>>[vector<16xi32>], vector<16xf32>,
        %parallel_loop3A_251 = arith.addf %parallel_loop3A_246, %parallel_loop3A_250 : vector<16xf32>
        %parallel_loop3A_252 = arith.constant 6 : i32
        %parallel_loop3A_253 = vector.broadcast %parallel_loop3A_252 : i32 to vector<16xi32>
        %parallel_loop3A_254 = arith.addi %parallel_loop3A_225, %parallel_loop3A_253 : vector<16xi32>
        %parallel_loop3A_255 = tpu.vector_load_idx %arg10[%parallel_loop3A_254] : memref<1024xf32, #tpu.memory_space<vmem>>[vector<16xi32>], vector<16xf32>,
        %parallel_loop3A_256 = arith.addf %parallel_loop3A_251, %parallel_loop3A_255 : vector<16xf32>
        %parallel_loop3A_257 = arith.constant 7 : i32
        %parallel_loop3A_258 = vector.broadcast %parallel_loop3A_257 : i32 to vector<16xi32>
        %parallel_loop3A_259 = arith.addi %parallel_loop3A_225, %parallel_loop3A_258 : vector<16xi32>
        %parallel_loop3A_260 = tpu.vector_load_idx %arg10[%parallel_loop3A_259] : memref<1024xf32, #tpu.memory_space<vmem>>[vector<16xi32>], vector<16xf32>,
        %parallel_loop3A_261 = arith.addf %parallel_loop3A_256, %parallel_loop3A_260 : vector<16xf32>
        %parallel_loop3A_262 = arith.constant 8 : i32
        %parallel_loop3A_263 = vector.broadcast %parallel_loop3A_262 : i32 to vector<16xi32>
        %parallel_loop3A_264 = arith.addi %parallel_loop3A_225, %parallel_loop3A_263 : vector<16xi32>
        %parallel_loop3A_265 = tpu.vector_load_idx %arg10[%parallel_loop3A_264] : memref<1024xf32, #tpu.memory_space<vmem>>[vector<16xi32>], vector<16xf32>,
        %parallel_loop3A_266 = arith.addf %parallel_loop3A_261, %parallel_loop3A_265 : vector<16xf32>
        %parallel_loop3A_267 = arith.constant 9 : i32
        %parallel_loop3A_268 = vector.broadcast %parallel_loop3A_267 : i32 to vector<16xi32>
        %parallel_loop3A_269 = arith.addi %parallel_loop3A_225, %parallel_loop3A_268 : vector<16xi32>
        %parallel_loop3A_270 = tpu.vector_load_idx %arg10[%parallel_loop3A_269] : memref<1024xf32, #tpu.memory_space<vmem>>[vector<16xi32>], vector<16xf32>,
        %parallel_loop3A_271 = arith.addf %parallel_loop3A_266, %parallel_loop3A_270 : vector<16xf32>
        %parallel_loop3A_272 = arith.constant 10 : i32
        %parallel_loop3A_273 = vector.broadcast %parallel_loop3A_272 : i32 to vector<16xi32>
        %parallel_loop3A_274 = arith.addi %parallel_loop3A_225, %parallel_loop3A_273 : vector<16xi32>
        %parallel_loop3A_275 = tpu.vector_load_idx %arg10[%parallel_loop3A_274] : memref<1024xf32, #tpu.memory_space<vmem>>[vector<16xi32>], vector<16xf32>,
        %parallel_loop3A_276 = arith.addf %parallel_loop3A_271, %parallel_loop3A_275 : vector<16xf32>
        %parallel_loop3A_277 = arith.constant 11 : i32
        %parallel_loop3A_278 = vector.broadcast %parallel_loop3A_277 : i32 to vector<16xi32>
        %parallel_loop3A_279 = arith.addi %parallel_loop3A_225, %parallel_loop3A_278 : vector<16xi32>
        %parallel_loop3A_280 = tpu.vector_load_idx %arg10[%parallel_loop3A_279] : memref<1024xf32, #tpu.memory_space<vmem>>[vector<16xi32>], vector<16xf32>,
        %parallel_loop3A_281 = arith.addf %parallel_loop3A_276, %parallel_loop3A_280 : vector<16xf32>
        %parallel_loop3A_282 = arith.constant 12 : i32
        %parallel_loop3A_283 = vector.broadcast %parallel_loop3A_282 : i32 to vector<16xi32>
        %parallel_loop3A_284 = arith.addi %parallel_loop3A_225, %parallel_loop3A_283 : vector<16xi32>
        %parallel_loop3A_285 = tpu.vector_load_idx %arg10[%parallel_loop3A_284] : memref<1024xf32, #tpu.memory_space<vmem>>[vector<16xi32>], vector<16xf32>,
        %parallel_loop3A_286 = arith.addf %parallel_loop3A_281, %parallel_loop3A_285 : vector<16xf32>
        %parallel_loop3A_287 = arith.constant 13 : i32
        %parallel_loop3A_288 = vector.broadcast %parallel_loop3A_287 : i32 to vector<16xi32>
        %parallel_loop3A_289 = arith.addi %parallel_loop3A_225, %parallel_loop3A_288 : vector<16xi32>
        %parallel_loop3A_290 = tpu.vector_load_idx %arg10[%parallel_loop3A_289] : memref<1024xf32, #tpu.memory_space<vmem>>[vector<16xi32>], vector<16xf32>,
        %parallel_loop3A_291 = arith.addf %parallel_loop3A_286, %parallel_loop3A_290 : vector<16xf32>
        %parallel_loop3A_292 = arith.constant 14 : i32
        %parallel_loop3A_293 = vector.broadcast %parallel_loop3A_292 : i32 to vector<16xi32>
        %parallel_loop3A_294 = arith.addi %parallel_loop3A_225, %parallel_loop3A_293 : vector<16xi32>
        %parallel_loop3A_295 = tpu.vector_load_idx %arg10[%parallel_loop3A_294] : memref<1024xf32, #tpu.memory_space<vmem>>[vector<16xi32>], vector<16xf32>,
        %parallel_loop3A_296 = arith.addf %parallel_loop3A_291, %parallel_loop3A_295 : vector<16xf32>
        %parallel_loop3A_297 = arith.constant 15 : i32
        %parallel_loop3A_298 = vector.broadcast %parallel_loop3A_297 : i32 to vector<16xi32>
        %parallel_loop3A_299 = arith.addi %parallel_loop3A_225, %parallel_loop3A_298 : vector<16xi32>
        %parallel_loop3A_300 = tpu.vector_load_idx %arg10[%parallel_loop3A_299] : memref<1024xf32, #tpu.memory_space<vmem>>[vector<16xi32>], vector<16xf32>,
        %parallel_loop3A_301 = arith.addf %parallel_loop3A_296, %parallel_loop3A_300 : vector<16xf32>
        %parallel_loop3A_302 = arith.constant 16 : i32
        %parallel_loop3A_303 = arith.muli %parallel_loop3A_218, %parallel_loop3A_302 : i32
        %parallel_loop3A_304 = arith.index_cast %parallel_loop3A_303 : i32 to index
        %parallel_loop3A_305 = tpu.vector_load %arg12[%parallel_loop3A_304] {strides = array<i32>} : memref<64xf32, #tpu.memory_space<vmem>>, vector<16xf32>,
        tpu.vector_store %arg12[%parallel_loop3A_304], %parallel_loop3A_301 {strides = array<i32>} : memref<64xf32, #tpu.memory_space<vmem>>, vector<16xf32>,
      } {sc.loop_unroll_factor = 2 : i64, sc.parallel_access}
      %mul3A_209 = arith.constant 32 : i32
      %mul3A_210 = arith.muli %add3A_93, %mul3A_209 : i32
      %add3A_211 = arith.addi %add3A, %mul3A_210 : i32
      %min3A_212 = arith.constant 2499 : i32
      %min3A_213 = arith.minsi %add3A_211, %min3A_212 : i32
      %mul3A_214 = arith.constant 64 : i32
      %mul3A_215 = arith.muli %min3A_213, %mul3A_214 : i32
      %dma_start3A_216 = tpu.memref_slice %arg5[%mul3A_215] : memref<160000xf32, #tpu.memory_space<hbm>> -> memref<64xf32, #tpu.memory_space<hbm>>
      %dma_start3A_217 = tpu.memref_slice %arg5[%mul3A_215] : memref<160000xf32, #tpu.memory_space<hbm>> -> memref<64xf32, #tpu.memory_space<hbm>>
      tpu.enqueue_dma source(%arg12 : memref<64xf32, #tpu.memory_space<vmem>>) target(%dma_start3A_217 : memref<64xf32, #tpu.memory_space<hbm>>) target_semaphore(%arg20 : memref<!tpu.dma_semaphore, #tpu.memory_space<semaphore_mem>>)
    }
    %scan3A_59 = arith.constant 40 : i32
    %dma_wait3A_60 = arith.constant 0 : i32
    %dma_wait3A_61 = arith.constant 0 : i32
    %dma_wait3A_62 = tpu.memref_slice %arg13[%dma_wait3A_60, %dma_wait3A_61] : memref<10000x256xbf16, #tpu.memory_space<vmem_shared>> -> memref<10000x256xbf16, #tpu.memory_space<vmem_shared>>
    tpu.wait_indirect_dma semaphore(%arg17 : memref<!tpu.dma_semaphore, #tpu.memory_space<semaphore_mem>>) src(%dma_wait3A_62 : memref<10000x256xbf16, #tpu.memory_space<vmem_shared>>) dst(%arg8 : memref<128x256xbf16, #tpu.memory_space<vmem>>)
    %dma_wait3A_63 = arith.constant 0 : i32
    %dma_wait3A_64 = tpu.memref_slice %arg7[%dma_wait3A_63] : memref<128xi32, #tpu.memory_space<vmem>> -> memref<64xi32, #tpu.memory_space<vmem>>
    %dma_wait3A_65 = arith.constant 0 : i32
    %dma_wait3A_66 = tpu.memref_slice %arg3[%dma_wait3A_65] : memref<160000xi32, #tpu.memory_space<hbm>> -> memref<64xi32, #tpu.memory_space<hbm>>
    %dma_wait3A_67 = arith.constant 0 : i32
    %dma_wait3A_68 = tpu.memref_slice %arg7[%dma_wait3A_67] : memref<128xi32, #tpu.memory_space<vmem>> -> memref<64xi32, #tpu.memory_space<vmem>>
    %dma_wait3A_69 = arith.constant 0 : i32
    %dma_wait3A_70 = tpu.memref_slice %arg3[%dma_wait3A_69] : memref<160000xi32, #tpu.memory_space<hbm>> -> memref<64xi32, #tpu.memory_space<hbm>>
    tpu.wait_dma2 semaphore(%arg16 : memref<!tpu.dma_semaphore, #tpu.memory_space<semaphore_mem>>) src(%dma_wait3A_70 : memref<64xi32, #tpu.memory_space<hbm>>) dst(%dma_wait3A_68 : memref<64xi32, #tpu.memory_space<vmem>>)
    %dma_wait3A_71 = arith.constant 64 : i32
    %dma_wait3A_72 = tpu.memref_slice %arg7[%dma_wait3A_71] : memref<128xi32, #tpu.memory_space<vmem>> -> memref<64xi32, #tpu.memory_space<vmem>>
    %dma_wait3A_73 = arith.constant 0 : i32
    %dma_wait3A_74 = tpu.memref_slice %arg4[%dma_wait3A_73] : memref<160000xi32, #tpu.memory_space<hbm>> -> memref<64xi32, #tpu.memory_space<hbm>>
    %dma_wait3A_75 = arith.constant 64 : i32
    %dma_wait3A_76 = tpu.memref_slice %arg7[%dma_wait3A_75] : memref<128xi32, #tpu.memory_space<vmem>> -> memref<64xi32, #tpu.memory_space<vmem>>
    %dma_wait3A_77 = arith.constant 0 : i32
    %dma_wait3A_78 = tpu.memref_slice %arg4[%dma_wait3A_77] : memref<160000xi32, #tpu.memory_space<hbm>> -> memref<64xi32, #tpu.memory_space<hbm>>
    tpu.wait_dma2 semaphore(%arg16 : memref<!tpu.dma_semaphore, #tpu.memory_space<semaphore_mem>>) src(%dma_wait3A_78 : memref<64xi32, #tpu.memory_space<hbm>>) dst(%dma_wait3A_76 : memref<64xi32, #tpu.memory_space<vmem>>)
    %dma_wait3A_79 = arith.constant 0 : i32
    %dma_wait3A_80 = tpu.memref_slice %arg5[%dma_wait3A_79] : memref<160000xf32, #tpu.memory_space<hbm>> -> memref<64xf32, #tpu.memory_space<hbm>>
    %dma_wait3A_81 = arith.constant 0 : i32
    %dma_wait3A_82 = tpu.memref_slice %arg5[%dma_wait3A_81] : memref<160000xf32, #tpu.memory_space<hbm>> -> memref<64xf32, #tpu.memory_space<hbm>>
    tpu.wait_dma2 semaphore(%arg19 : memref<!tpu.dma_semaphore, #tpu.memory_space<semaphore_mem>>) src(%arg11 : memref<64xf32, #tpu.memory_space<vmem>>) dst(%dma_wait3A_82 : memref<64xf32, #tpu.memory_space<hbm>>)
    %dma_wait3A_83 = arith.constant 0 : i32
    %dma_wait3A_84 = tpu.memref_slice %arg5[%dma_wait3A_83] : memref<160000xf32, #tpu.memory_space<hbm>> -> memref<64xf32, #tpu.memory_space<hbm>>
    %dma_wait3A_85 = arith.constant 0 : i32
    %dma_wait3A_86 = tpu.memref_slice %arg5[%dma_wait3A_85] : memref<160000xf32, #tpu.memory_space<hbm>> -> memref<64xf32, #tpu.memory_space<hbm>>
    tpu.wait_dma2 semaphore(%arg20 : memref<!tpu.dma_semaphore, #tpu.memory_space<semaphore_mem>>) src(%arg12 : memref<64xf32, #tpu.memory_space<vmem>>) dst(%dma_wait3A_86 : memref<64xf32, #tpu.memory_space<hbm>>)
    return
  }
}

</mosaic_0001>

<sc_bundles>
// kernel: kernel.3.cloned.1.call-start
scs
__scs_entry_jumppad:
0x0: {  	(pc) =	sbr.rel $0x88, $3  }
0x1: {  	(tag) =	ssettag $0x0;
	lr =	simm.s32 $0x1  }
0x2: {  	[smem:$0x3F9F] =	sst lr;
	_ =	strace $0xD0000000  }
0x3: {  	_ = 	snop  }
0x4: {  	_ = 	snop  }
0x5: {  	_ = 	snop  }
0x6: {  	_ = 	snop  }
0x7: {  	_ = 	snop  }
__scs_overlays_trampoline_lowered:
0x8: {  	[smem:$0x3FAE] =	sst s0  }
0x9: {  	[smem:$0x3FAF] =	sst s1  }
0xa: {  	[smem:$0x3FB0] =	sst s2  }
0xb: {  	[smem:$0x3FB1] =	sst s3  }
0xc: {  	[smem:$0x3FB2] =	sst s4  }
0xd: {  	[smem:$0x3FB3] =	sst s5  }
0xe: {  	[smem:$0x3FB4] =	sst s6  }
0xf: {  	[smem:$0x3FB5] =	sst s7  }
0x10: {  	[smem:$0x3FB6] =	sst s8  }
0x11: {  	[smem:$0x3FB7] =	sst s9;
	s0 =	simm.s32 @!p0 $0x0  }
0x12: {  	s1 =	sld [smem:$0x3F9D];
	s0 =	simm.s32 @p0 $0x1  }
0x13: {  	[smem:$0x3FB8] =	sst s0;
	s0 =	simm.s32 @!p1 $0x0  }
0x14: {  	s2 =	sld [smem:$0x3F9C];
	s0 =	simm.s32 @p1 $0x1  }
0x15: {  	[smem:$0x3FB9] =	sst s0;
	s0 =	simm.s32 @!p2 $0x0  }
0x16: {  	s3 =	sld [smem:$0x3FDB];
	s0 =	simm.s32 @p2 $0x1  }
0x17: {  	s4 =	simm.s32 $0x1BF5;
	[smem:$0x3FBB] =	sst s0  }
0x18: {  	s0 =	sld [smem:$0x3F9E];
	_ =	swait.ge [sflag:s4], $0x0  }
0x19: {  	s7 =	sld [smem:$0x3F9F]  }
0x1a: {  	s8 =	sadd.s32 $0xFFFFE003, lr  }
0x1b: {  	s9 =	sadd.s32 $0xFFFFFEF7, lr;
	s5 =	simm.s32 $0xFFFFFFFF;
	p2 =	slt.u32 s8, $0xFFFFF086  }
0x1c: {  	p1 =	slt.u32 s9, $0xF7A;
	s5 =	simm.s32 @!p2 $0x0  }
0x1d: {  	s5 =	simm.s32 @p1 $0x1;
	p0 =	seq.s32 s7, s2  }
0x1e: {  	s7 =	smul.u32 @!p0 $0xF7A, s2;
	p2 =	seq.s32 @!p0 s5, $0x0  }
0x1f: {  	s9 =	smul.u32 $0xF7A, s1;
	s8 =	simm.s32 @!p0 $0x1BF5;
	p2 =	por !p2, p0  }
0x20: {  	[sflag:s8] =	ssyncset.s32 @!p0 $0xFFFFF086;
	s6 =	sadd.s32 @!p0 s3, s7;
	s7 =	simm.s32 @!p0 $0x108  }
0x21: {  	s3 =	sadd.s32 s3, s9;
	s6 =	sadd.s32 @!p0 $0x88, s6;
	s7 =	simm.s32 @p2 $0x1082  }
0x22: {  	[simem:s7], [sflag:s8] =	dma.local @!p0 [hbm:s6], $0xF7A  }
0x23: {  	s9 =	sor.u32 $0xD0000000, s2;
	s6 =	simm.s32 $0x108;
	_ =	swait.ge @!p0 [sflag:s8], $0x0  }
0x24: {  	s3 =	sadd.s32 $0x88, s3;
	s6 =	simm.s32 @!p1 $0x1082;
	[sflag:s4] =	ssyncset.s32 $0xFFFFF086  }
0x25: {  	[simem:s6], [sflag:s4] =	dma.local [hbm:s3], $0xF7A  }
0x26: {  	[smem:$0x3F9F] =	sst s1;
	(tag) =	ssettag s2;
	_ =	strace s9  }
0x27: {  	s1 =	sld [smem:$0x3FAF]  }
0x28: {  	s2 =	sld [smem:$0x3FB0]  }
0x29: {  	s4 =	sld [smem:$0x3FB2]  }
0x2a: {  	p0 =	seq.s32 s5, $0x0;
	s5 =	sld [smem:$0x3FB3]  }
0x2b: {  	s6 =	sld [smem:$0x3FB4]  }
0x2c: {  	s7 =	sld [smem:$0x3FB5]  }
0x2d: {  	s3 =	simm.s32 $0x108;
	s8 =	sld [smem:$0x3FB6]  }
0x2e: {  	s3 =	simm.s32 @!p0 $0x1082;
	s9 =	sld [smem:$0x3FB7]  }
0x2f: {  	lr =	sadd.s32 s0, s3;
	s0 =	sld [smem:$0x3FAE]  }
0x30: {  	s3 =	sld [smem:$0x3FB1]  }
0x31: {  	[smem:$0x3FBA] =	sst s10  }
0x32: {  	s10 =	sld [smem:$0x3FB8];
	_ =	sdelay $0x3  }
0x33: {  	p0 =	seq.s32 s10, $0x1;
	s10 =	sld [smem:$0x3FBA];
	_ =	sdelay $0x3  }
0x34: {  	[smem:$0x3FBA] =	sst s10  }
0x35: {  	s10 =	sld [smem:$0x3FB9];
	_ =	sdelay $0x3  }
0x36: {  	p1 =	seq.s32 s10, $0x1;
	s10 =	sld [smem:$0x3FBA];
	_ =	sdelay $0x3  }
0x37: {  	[smem:$0x3FBA] =	sst s10  }
0x38: {  	s10 =	sld [smem:$0x3FBB]  }
0x39: {  	_ = 	snop;
	(pc) =	sbr.ind lr, $3  }
0x3a: {  	_ = 	snop  }
0x3b: {  	_ = 	snop  }
0x3c: {  	p2 =	seq.s32 s10, $0x1;
	s10 =	sld [smem:$0x3FBA]  }
0x3d: {  	_ =	shalt  }
0x3e: {  	_ =	shalt  }
0x3f: {  	_ =	shalt  }
0x40: {  	_ =	shalt  }
0x41: {  	_ =	shalt  }
0x42: {  	_ =	shalt  }
0x43: {  	_ =	shalt  }
0x44: {  	_ =	shalt  }
0x45: {  	_ =	shalt  }
0x46: {  	_ =	shalt  }
0x47: {  	_ =	shalt  }
0x48: {  	_ =	shalt  }
0x49: {  	_ =	shalt  }
0x4a: {  	_ =	shalt  }
0x4b: {  	_ =	shalt  }
0x4c: {  	_ =	shalt  }
0x4d: {  	_ =	shalt  }
0x4e: {  	_ =	shalt  }
0x4f: {  	_ =	shalt  }
0x50: {  	_ =	shalt  }
0x51: {  	_ =	shalt  }
0x52: {  	_ =	shalt  }
0x53: {  	_ =	shalt  }
0x54: {  	_ =	shalt  }
0x55: {  	_ =	shalt  }
0x56: {  	_ =	shalt  }
0x57: {  	_ =	shalt  }
0x58: {  	_ =	shalt  }
0x59: {  	_ =	shalt  }
0x5a: {  	_ =	shalt  }
0x5b: {  	_ =	shalt  }
0x5c: {  	_ =	shalt  }
0x5d: {  	_ =	shalt  }
0x5e: {  	_ =	shalt  }
0x5f: {  	_ =	shalt  }
0x60: {  	_ =	shalt  }
0x61: {  	_ =	shalt  }
0x62: {  	_ =	shalt  }
0x63: {  	_ =	shalt  }
0x64: {  	_ =	shalt  }
0x65: {  	_ =	shalt  }
0x66: {  	_ =	shalt  }
0x67: {  	_ =	shalt  }
0x68: {  	_ =	shalt  }
0x69: {  	_ =	shalt  }
0x6a: {  	_ =	shalt  }
0x6b: {  	_ =	shalt  }
0x6c: {  	_ =	shalt  }
0x6d: {  	_ =	shalt  }
0x6e: {  	_ =	shalt  }
0x6f: {  	_ =	shalt  }
0x70: {  	_ =	shalt  }
0x71: {  	_ =	shalt  }
0x72: {  	_ =	shalt  }
0x73: {  	_ =	shalt  }
0x74: {  	_ =	shalt  }
0x75: {  	_ =	shalt  }
0x76: {  	_ =	shalt  }
0x77: {  	_ =	shalt  }
0x78: {  	_ =	shalt  }
0x79: {  	_ =	shalt  }
0x7a: {  	_ =	shalt  }
0x7b: {  	_ =	shalt  }
0x7c: {  	_ =	shalt  }
0x7d: {  	_ =	shalt  }
0x7e: {  	_ =	shalt  }
0x7f: {  	_ =	shalt  }
0x80: {  	_ =	shalt  }
0x81: {  	_ =	shalt  }
0x82: {  	_ =	shalt  }
0x83: {  	_ =	shalt  }
0x84: {  	_ =	shalt  }
0x85: {  	_ =	shalt  }
0x86: {  	_ =	shalt  }
0x87: {  	_ =	shalt  }
.Lfunc_end0:
.L_simem_size_0:
called_computation_lowered:
.L_overlay_start_0:
0x88: {  	s2 =	sld [smem:$0x3FD9]  }
0x89: {  	s3 =	sld [smem:$0x3FFE];
	_ =	sdelay $0x1  }
0x8a: {  	s1 =	srdreg.scid  }
0x8b: {  	s0 =	sand.u32 $0x1, s1  }
0x8c: {  	s17 =	sshll.u32 s0, $0xA;
	s2 =	sadd.s32 s3, s2  }
0x8d: {  	s2 =	sadd.s32 s2, s17  }
0x8e: {  	[smem:$0x3FC6] =	sst s2  }
0x8f: {  	_ = 	snop  }
0x90: {  	s2 =	sld [smem:$0x3FD0];
	(tm) =	ssettm $0x1  }
0x91: {  	s18 =	sld [smem:$0x3FFB];
	_ =	sdelay $0x3  }
0x92: {  	_ =	strace s18  }
0x93: {  	s3 =	sld [smem:$0x3FFC];
	_ =	sdelay $0x3  }
0x94: {  	_ =	strace s3  }
0x95: {  	s3 =	sld [smem:$0x3FFD];
	_ =	sdelay $0x3  }
0x96: {  	_ =	strace s3  }
0x97: {  	_ =	strace $0x8FFFFFFF  }
0x98: {  	s19 =	sld [smem:$0x3FDB];
	_ =	sdelay $0x1  }
0x99: {  	s4 =	simm.s32 $_scs_section_size  }
0x9a: {  	s5 =	simm.s32 $_size__tile_overlayer_lowered;
	s6 =	simm.s32 $_tile_overlayer_lowered  }
0x9b: {  	s22 =	simm.s32 $0x1BFF;
	s21 =	sshll.u32 s6, $0x1;
	s3 =	sadd.s32 s4, s19  }
0x9c: {  	s7 =	simm.s32 $0x0;
	s20 =	sshll.u32 s5, $0x1;
	s5 =	sadd.s32 s21, s3  }
0x9d: {  	[timem:s7], [sflag:s22] =	dma.local [hbm:s5], s20  }
0x9e: {  	_ =	swait.ge [sflag:s22], s20  }
0x9f: {  	s4 =	ssub.s32 $0x0, s20;
	[sflag:s22] =	ssyncset.done $0x0  }
0xa0: {  	[sflag:s22] =	ssyncadd.s32 s4;
	_ =	sdelay $0x1  }
0xa1: {  	s23 =	simm.s32 $0x1B8B  }
0xa2: {  	_ =	swait.ge [sflag:s23], $0x1  }
0xa3: {  	[sflag:s23] =	ssyncset.done $0x0  }
0xa4: {  	s25 =	simm.s32 $0x1B8E;
	s24 =	sld [smem:$0x3FFE];
	[sflag:s23] =	ssyncadd.s32 $0xFFFFFFFF  }
0xa5: {  	s26 =	simm.s32 $execute0_lowered;
	[smem:$0x3FD2] =	sst s25  }
0xa6: {  	s5 =	sshll.u32 s26, $0x1;
	_ =	strace $0x80000046;
	[dreg:$0x1] =	wrdreg $0xFFFFFFFF  }
0xa7: {  	s28 =	simm.s32 $_size_execute0_lowered;
	s3 =	sadd.s32 s3, s5;
	[dreg:$0x0] =	wrdreg $0x0  }
0xa8: {  	s5 =	sshll.u32 s28, $0x1;
	[dreg:$0x2] =	wrdreg s3  }
0xa9: {  	[dreg:$0x3] =	wrdreg s5  }
0xaa: {  	[dreg:$0x4] =	wrdreg $0xC0  }
0xab: {  	_ =	task [dreg:s7], $0x5FFFF  }
0xac: {  	[dreg:$0x1] =	wrdreg $0xFFFFFFFF  }
0xad: {  	[dreg:$0x0] =	wrdreg $0x60  }
0xae: {  	[dreg:$0x2] =	wrdreg s24  }
0xaf: {  	[dreg:$0x3] =	wrdreg s2  }
0xb0: {  	[dreg:$0x4] =	wrdreg $0x85800  }
0xb1: {  	[dreg:$0x5] =	wrdreg $0x9  }
0xb2: {  	_ =	task.clear_ibuf [dreg:s7], $0x6FFFF;
	_ =	strace $0x90000046  }
0xb3: {  	s29 =	simm.s32 $0x9;
	_ =	strace $0x80000048  }
0xb4: {  	_ =	swait.ge [sflag:s29], $0x1  }
0xb5: {  	[sflag:s29] =	ssyncadd.s32 $0xFFFFFFFF  }
0xb6: {  	_ =	strace $0x90000048  }
0xb7: {  	_ =	sfence  }
0xb8: {  	s30 =	sld [smem:$0x0];
	_ =	sdelay $0x2  }
0xb9: {  	s31 =	sshll.u32 s1, $0xD;
	s1 =	sshrl.u32 s1, $0x2  }
0xba: {  	s3 =	sand.u32 $0x4000, s31;
	s1 =	sadd.s32 s1, s30  }
0xbb: {  	s0 =	sor.u32 s3, s0;
	s1 =	sshll.u32 s1, $0x11  }
0xbc: {  	s0 =	sor.u32 s1, s0  }
0xbd: {  	s0 =	sadd.s32 $0x8F2B, s0  }
0xbe: {  	[sflag:s0] =	ssyncadd.remote.s32 $0x1  }
0xbf: {  	_ =	sfence.sel $0xFFFF  }
0xc0: {  	[dreg:$0x0] =	wrdreg $0xFFFFFFFF;
	(pc) =	sbr.abs _section_cstart, $3  }
0xc1: {  	[dreg:$0x1] =	wrdreg $0xFFFFFFFF  }
0xc2: {  	_ =	task.clear_ibuf [dreg:s7], $0x2FFFF;
	_ =	strace $0x9FFFFFFF  }
0xc3: {  	(tm) =	ssettm $0x7FFFFFFF  }
tec
execute0_lowered:
.L_overlay_start_1:
0x0: {  	(tag) =	ssettag $0x1  }
0x1: {  	s7 =	rddreg [dreg:$0x0]  }
0x2: {  	s2 =	rddreg [dreg:$0x1]  }
0x3: {  	s3 =	rddreg [dreg:$0x2];
	s4 =	simm.s32 $0x0  }
0x4: {  	s0 =	srdreg.scid;
	s1 =	stileid.u32;
	s16 =	simm.s32 $0x40  }
0x5: {  	s17 =	simm.s32 $0x80;
	s18 =	simm.s32 $0xC0;
	s19 =	simm.s32 $0x2  }
0x6: {  	s20 =	simm.s32 $0x100;
	s21 =	simm.s32 $0x4;
	s22 =	simm.s32 $0x3  }
0x7: {  	s23 =	simm.s32 $0x4100;
	s28 =	simm.s32 $0x8540;
	s29 =	simm.s32 $0x6  }
0x8: {  	s30 =	simm.s32 $0x7;
	s31 =	simm.s32 $0x0;
	[smem:$0x7FF] =	sst s4  }
0x9: {  	s0 =	sand.u32 $0x1, s0;
	s5 =	sshll.u32 s1, $0x1;
	s6 =	sadd.s32 $0x2C200, s7  }
0xa: {  	s7 =	sadd.s32 $0x27200, s7;
	p0 =	sne.s32 s1, $0x0;
	_ =	strace $0x80000047  }
0xb: {  	s8 =	ssub.s32 $0x2, s0;
	s5 =	sor.u32 s0, s5;
	s15 =	sshrl.u32 @!p0 s3, $0x3  }
0xc: {  	s24 =	sshrl.u32 s8, $0x1;
	s9 =	sshll.u32 s5, $0x3;
	s12 =	sor.u32 $0x40, s5  }
0xd: {  	s13 =	sor.u32 $0x60, s5;
	s0 =	ssub.s32 s8, s24;
	s10 =	sadd.s32 s6, s9  }
0xe: {  	s25 =	sor.u32 $0x100, s9;
	s9 =	sadd.s32 s7, s9;
	[dreg:$0x4] =	wrdreg s10  }
0xf: {  	s24 =	simm.s32 $0x8100;
	[dreg:$0x5] =	wrdreg s9;
	s26 =	sadd.s32 s6, s25  }
0x10: {  	v0 =	vlaneseq.u32;
	s8 =	sadd.s32 s7, s25;
	s14 =	smax.u32 s0, $0x1;
	[dreg:$0x6] =	wrdreg s26  }
0x11: {  	v0 =	vmul.u32 $0x10, v0;
	s25 =	simm.s32 $0x8500;
	[dreg:$0x7] =	wrdreg s8;
	s26 =	simm.s32 $0x5  }
.LBB2_1:
0x12: {  	s0 =	simm.s32 @!p0 $0x1C01;
	s1 =	rddreg [dreg:$0x0]  }
0x13: {  	[spmem:s15], [sflag:s0] =	dma.local @!p0 [hbm:s1], $0x27100  }
0x14: {  	s0 =	simm.s32 @!p0 $0x1  }
0x15: {  	_ =	swait.ge @!p0 [sflag:s0], $0x27100  }
0x16: {  	[sflag:s0] =	ssyncset.done @!p0 $0x0  }
0x17: {  	[sflag:s0] =	ssyncadd.s32 @!p0 $0xFFFD8F00  }
0x18: {  	[bflag:$0x0] =	sbarrier.arrive $0xFFFF  }
0x19: {  	s8 =	rddreg [dreg:$0x4]  }
0x1a: {  	[tilespmem:s4], [sflag:$0x2] =	stream.linear.gather [hbm4b:s8+s4], $0x40, $0x38;
	[tilespmem:$0x1BE00] =	vst v63  }
0x1b: {  	s9 =	rddreg [dreg:$0x5]  }
0x1c: {  	[tilespmem:s16], [sflag:$0x2] =	stream.linear.gather [hbm4b:s9+s4], $0x40, $0x38;
	[tilespmem:$0x1BE00] =	vst v63  }
0x1d: {  	s10 =	rddreg [dreg:$0x6]  }
0x1e: {  	[tilespmem:s17], [sflag:$0x3] =	stream.linear.gather [hbm4b:s10+s4], $0x40, $0x38;
	[tilespmem:$0x1BE00] =	vst v63  }
0x1f: {  	s11 =	rddreg [dreg:$0x7]  }
0x20: {  	[tilespmem:s18], [sflag:$0x3] =	stream.linear.gather [hbm4b:s11+s4], $0x40, $0x38;
	[tilespmem:$0x1BE00] =	vst v63  }
0x21: {  	_ =	swait.ge [sflag:s19], $0x40  }
0x22: {  	[sflag:s19] =	ssyncset.done $0x0  }
0x23: {  	[sflag:s19] =	ssyncadd.s32 $0xFFFFFFC0  }
0x24: {  	_ =	swait.ge [sflag:s19], $0x40  }
0x25: {  	[sflag:s19] =	ssyncset.done $0x0  }
0x26: {  	s0 =	simm.s32 $0x0;
	[sflag:s19] =	ssyncadd.s32 $0xFFFFFFC0  }
0x27: {  	[tilespmem:s20], [sflag:$0x4] =	stream.indirect.gather [spmem:s3], $0x80, s4, s17, $0xb8;
	[tilespmem:$0x1BE00] =	vst v63  }
.LBB2_2:
0x28: {  	s1 =	sshll.u32 s0, $0x6  }
0x29: {  	s8 =	sadd.s32 s12, s1  }
0x2a: {  	_ =	swait.ge [sflag:s21], $0x4000;
	s8 =	smin.u32 s8, $0x9C3  }
0x2b: {  	[sflag:s21] =	ssyncset.done $0x0;
	s8 =	sshll.u32 s8, $0x3  }
0x2c: {  	[sflag:s21] =	ssyncadd.s32 $0xFFFFC000;
	s9 =	sadd.s32 s6, s8  }
0x2d: {  	[tilespmem:s4], [sflag:$0x2] =	stream.linear.gather [hbm4b:s9+s4], $0x40, $0x38;
	[tilespmem:$0x1BE00] =	vst v63  }
0x2e: {  	s8 =	sadd.s32 s7, s8  }
0x2f: {  	[tilespmem:s16], [sflag:$0x2] =	stream.linear.gather [hbm4b:s8+s4], $0x40, $0x38;
	[tilespmem:$0x1BE00] =	vst v63  }
0x30: {  	_ =	swait.ge [sflag:s22], $0x40  }
0x31: {  	[sflag:s22] =	ssyncset.done $0x0  }
0x32: {  	[sflag:s22] =	ssyncadd.s32 $0xFFFFFFC0  }
0x33: {  	_ =	swait.ge [sflag:s22], $0x40  }
0x34: {  	p1 =	seq.s32 s0, $0x0;
	[sflag:s22] =	ssyncset.done $0x0  }
0x35: {  	s8 =	simm.s32 @!p1 $0x6;
	[sflag:s22] =	ssyncadd.s32 $0xFFFFFFC0  }
0x36: {  	[tilespmem:s23], [sflag:$0x5] =	stream.indirect.gather [spmem:s3], $0x80, s17, s17, $0xb8;
	[tilespmem:$0x1BE00] =	vst v63  }
0x37: {  	_ =	swait.ge @!p1 [sflag:s8], $0x40  }
0x38: {  	[sflag:s8] =	ssyncset.done @!p1 $0x0  }
0x39: {  	s11 =	simm.s32 $0x2100;
	[sflag:s8] =	ssyncadd.s32 @!p1 $0xFFFFFFC0  }
0x3a: {  	v2 =	vld [tilespmem:s11+$0xFFFFE180]  }
0x3b: {  	v3 =	vld [tilespmem:s11+$0x180]  }
0x3c: {  	v4 =	vld [tilespmem:s11+$0xFFFFE190]  }
0x3d: {  	v5 =	vld [tilespmem:s11+$0x190]  }
0x3e: {  	v6 =	vld [tilespmem:s11+$0xFFFFE1A0]  }
0x3f: {  	v7 =	vld [tilespmem:s11+$0x1A0]  }
0x40: {  	v8 =	vld [tilespmem:s11+$0xFFFFE1B0]  }
0x41: {  	v9 =	vld [tilespmem:s11+$0x1B0]  }
0x42: {  	v10 =	vld [tilespmem:s11+$0xFFFFE1C0]  }
0x43: {  	v11 =	vld [tilespmem:s11+$0x1C0]  }
0x44: {  	v12 =	vld [tilespmem:s11+$0xFFFFE1D0]  }
0x45: {  	v13 =	vld [tilespmem:s11+$0x1D0]  }
0x46: {  	v14 =	vld [tilespmem:s11+$0xFFFFE1E0]  }
0x47: {  	v15 =	vld [tilespmem:s11+$0x1E0]  }
0x48: {  	v16 =	vld [tilespmem:s11+$0xFFFFE1F0]  }
0x49: {  	v17 =	vld [tilespmem:s11+$0x1F0]  }
0x4a: {  	v1 =	vld [tilespmem:s11+$0x0]  }
0x4b: {  	v18 =	vld [tilespmem:s11+$0xFFFFE010]  }
0x4c: {  	v20 =	vld [tilespmem:s11+$0xFFFFE020]  }
0x4d: {  	v21 =	vld [tilespmem:s11+$0x20]  }
0x4e: {  	v22 =	vld [tilespmem:s11+$0xFFFFE030]  }
0x4f: {  	v23 =	vld [tilespmem:s11+$0x30]  }
0x50: {  	v24 =	vld [tilespmem:s11+$0xFFFFE040]  }
0x51: {  	v25 =	vld [tilespmem:s11+$0x40]  }
0x52: {  	v26 =	vld [tilespmem:s11+$0xFFFFE050]  }
0x53: {  	v27 =	vld [tilespmem:s11+$0x50]  }
0x54: {  	v28 =	vld [tilespmem:s11+$0xFFFFE060]  }
0x55: {  	v29 =	vld [tilespmem:s11+$0x60]  }
0x56: {  	v30 =	vld [tilespmem:s11+$0xFFFFE070]  }
0x57: {  	v31 =	vld [tilespmem:s11+$0x70]  }
0x58: {  	v32 =	vld [tilespmem:s11+$0xFFFFE080]  }
0x59: {  	v33 =	vld [tilespmem:s11+$0x80]  }
0x5a: {  	v34 =	vld [tilespmem:s11+$0xFFFFE090]  }
0x5b: {  	v35 =	vld [tilespmem:s11+$0x90]  }
0x5c: {  	v36 =	vld [tilespmem:s11+$0xFFFFE0A0]  }
0x5d: {  	v37 =	vld [tilespmem:s11+$0xA0]  }
0x5e: {  	v38 =	vld [tilespmem:s11+$0xFFFFE0B0]  }
0x5f: {  	v39 =	vld [tilespmem:s11+$0xB0]  }
0x60: {  	v40 =	vld [tilespmem:s11+$0xFFFFE0C0]  }
0x61: {  	v41 =	vld [tilespmem:s11+$0xC0]  }
0x62: {  	v42 =	vld [tilespmem:s11+$0xFFFFE0D0]  }
0x63: {  	v56 =	vld [tilespmem:s11+$0x110]  }
0x64: {  	v57 =	vld [tilespmem:s11+$0xFFFFE120];
	v2 =	vmul.bf16 v3, v2;
	v3 =	vmul.bf16 v5, v4  }
0x65: {  	v4 =	vld [tilespmem:s11+$0xD0];
	v5 =	vmul.bf16 v7, v6;
	v6 =	vmul.bf16 v9, v8  }
0x66: {  	v7 =	vld [tilespmem:s11+$0xFFFFE0E0];
	v8 =	vmul.bf16 v11, v10;
	v9 =	vmul.bf16 v13, v12  }
0x67: {  	v10 =	vld [tilespmem:s11+$0xE0];
	v11 =	vmul.bf16 v15, v14;
	v12 =	vmul.bf16 v17, v16  }
0x68: {  	v13 =	vld [tilespmem:s11+$0xFFFFE0F0];
	v2 =	vadd.bf16 v3, v2;
	v3 =	vadd.bf16 v6, v5  }
0x69: {  	v5 =	vld [tilespmem:s11+$0xF0];
	v6 =	vadd.bf16 v9, v8;
	v8 =	vadd.bf16 v12, v11  }
0x6a: {  	v58 =	vld [tilespmem:s11+$0xFFFFE140];
	v14 =	vmul.bf16 v37, v36  }
0x6b: {  	v15 =	vmul.bf16 v39, v38;
	v9 =	vld [tilespmem:s11+$0xFFFFE100];
	v2 =	vadd.bf16 v3, v2;
	v6 =	vadd.bf16 v8, v6  }
0x6c: {  	v11 =	vmul.bf16 v35, v34;
	v12 =	vld [tilespmem:s11+$0xFFFFE110];
	v8 =	vmul.bf16 v33, v32  }
0x6d: {  	v3 =	vld [tilespmem:s11+$0x100];
	v4 =	vmul.bf16 v4, v42;
	v2 =	vadd.bf16 v6, v2;
	v6 =	vmul.bf16 v41, v40  }
0x6e: {  	v7 =	vmul.bf16 v10, v7;
	v10 =	vld [tilespmem:s11+$0x120];
	v8 =	vadd.bf16 v11, v8;
	v5 =	vmul.bf16 v5, v13  }
0x6f: {  	v13 =	vadd.bf16 v15, v14;
	v15 =	vmul.bf16 v25, v24;
	v4 =	vadd.bf16 v4, v6;
	v6 =	vld [tilespmem:s11+$0xFFFFE130]  }
0x70: {  	v14 =	vunpack.i.u.bf16.f32 v2;
	v2 =	vunpack.i.l.bf16.f32 v2;
	v5 =	vadd.bf16 v5, v7;
	v7 =	vld [tilespmem:s11+$0x130]  }
0x71: {  	v60 =	vld [tilespmem:s11+$0xFFFFE150];
	v14 =	vadd.f32 v2, v14;
	v2 =	vmul.bf16 v27, v26;
	v8 =	vadd.bf16 v13, v8  }
0x72: {  	v13 =	vld [tilespmem:s11+$0x140];
	v3 =	vmul.bf16 v3, v9;
	v9 =	vmul.bf16 v56, v12;
	v4 =	vadd.bf16 v5, v4  }
0x73: {  	v12 =	vld [tilespmem:s11+$0x150];
	v5 =	vmul.bf16 v29, v28;
	v15 =	vadd.bf16 v2, v15;
	v2 =	vmul.bf16 v31, v30  }
0x74: {  	v19 =	vld [tilespmem:s11+$0x10];
	v59 =	vmul.bf16 v23, v22;
	v11 =	vmul.bf16 v21, v20;
	v4 =	vadd.bf16 v4, v8  }
0x75: {  	v61 =	vadd.bf16 v2, v5;
	v2 =	vmul.bf16 v10, v57;
	v5 =	vld [tilespmem:s11+$0xFFFFE160];
	v6 =	vmul.bf16 v7, v6  }
0x76: {  	v62 =	vadd.bf16 v9, v3;
	v7 =	vld [tilespmem:s11+$0x160];
	v3 =	vunpack.i.u.bf16.f32 v4;
	v4 =	vunpack.i.l.bf16.f32 v4  }
0x77: {  	s8 =	simm.s32 $0x8120;
	v9 =	vld [tilespmem:s11+$0x170];
	v63 =	vadd.f32 v4, v3;
	v6 =	vadd.bf16 v6, v2  }
0x78: {  	[tilespmem:s8+$0x10] =	vst v14;
	v8 =	vld [tilespmem:s11+$0xFFFFE170];
	v10 =	vmul.bf16 v13, v58;
	v12 =	vmul.bf16 v12, v60;
	v3 =	vadd.bf16 v59, v11  }
0x79: {  	s10 =	simm.s32 $0x0;
	p2 =	por $0x1, $0x1;
	v2 =	vmul.bf16 v19, v18;
	v4 =	vadd.bf16 v61, v15;
	v11 =	vld [tilespmem:s11+$0xFFFFE000];
	s11 =	simm.s32 $0x2300;
	[tilespmem:s8+$0xFFFFFFF0] =	vst v63;
	v6 =	vadd.bf16 v6, v62  }
.LBB2_3:
0x7a: {  	v13 =	vld [tilespmem:s11+$0xFFFFE180]  }
0x7b: {  	v14 =	vld [tilespmem:s11+$0x180];
	v5 =	vmul.bf16 v7, v5;
	v7 =	vadd.bf16 v12, v10  }
0x7c: {  	v10 =	vld [tilespmem:s11+$0xFFFFE190]  }
0x7d: {  	v12 =	vld [tilespmem:s11+$0x190];
	v8 =	vmul.bf16 v9, v8  }
0x7e: {  	v9 =	vld [tilespmem:s11+$0xFFFFE1A0];
	v1 =	vmul.bf16 v1, v11  }
0x7f: {  	v11 =	vld [tilespmem:s11+$0x1A0];
	v5 =	vadd.bf16 v8, v5  }
0x80: {  	v8 =	vld [tilespmem:s11+$0xFFFFE1B0];
	v1 =	vadd.bf16 v2, v1  }
0x81: {  	v2 =	vld [tilespmem:s11+$0x1B0];
	v5 =	vadd.bf16 v5, v7  }
0x82: {  	v7 =	vld [tilespmem:s11+$0xFFFFE1C0];
	v1 =	vadd.bf16 v3, v1  }
0x83: {  	v3 =	vld [tilespmem:s11+$0x1C0];
	v5 =	vadd.bf16 v5, v6  }
0x84: {  	v6 =	vld [tilespmem:s11+$0xFFFFE1D0];
	v1 =	vadd.bf16 v4, v1  }
0x85: {  	v4 =	vld [tilespmem:s11+$0x1D0];
	v15 =	vunpack.i.u.bf16.f32 v5;
	v5 =	vunpack.i.l.bf16.f32 v5  }
0x86: {  	v16 =	vld [tilespmem:s11+$0xFFFFE1E0];
	v17 =	vunpack.i.u.bf16.f32 v1;
	v1 =	vunpack.i.l.bf16.f32 v1;
	v5 =	vadd.f32 v5, v15  }
0x87: {  	v15 =	vld [tilespmem:s11+$0x1E0];
	v1 =	vadd.f32 v1, v17  }
0x88: {  	v17 =	vld [tilespmem:s11+$0xFFFFE1F0];
	[tilespmem:s8+$0x0] =	vst v5  }
0x89: {  	s10 =	sadd.s32 $0x4, s10;
	v5 =	vld [tilespmem:s11+$0x1F0];
	[tilespmem:s8+$0xFFFFFFE0] =	vst v1  }
0x8a: {  	p3 =	slt.u32 s10, $0x3C;
	v1 =	vld [tilespmem:s11+$0x0]  }
0x8b: {  	v13 =	vmul.bf16 v14, v13;
	v10 =	vmul.bf16 v12, v10;
	v18 =	vld [tilespmem:s11+$0xFFFFE010]  }
0x8c: {  	v9 =	vmul.bf16 v11, v9;
	v2 =	vmul.bf16 v2, v8;
	v12 =	vld [tilespmem:s11+$0x10]  }
0x8d: {  	v3 =	vmul.bf16 v3, v7;
	v4 =	vmul.bf16 v4, v6;
	v8 =	vld [tilespmem:s11+$0xFFFFE020]  }
0x8e: {  	v7 =	vmul.bf16 v15, v16;
	v6 =	vld [tilespmem:s11+$0x20];
	v5 =	vmul.bf16 v5, v17  }
0x8f: {  	v10 =	vadd.bf16 v10, v13;
	v9 =	vadd.bf16 v2, v9;
	v11 =	vld [tilespmem:s11+$0xFFFFE030]  }
0x90: {  	v3 =	vadd.bf16 v4, v3;
	v13 =	vld [tilespmem:s11+$0x30];
	v4 =	vadd.bf16 v5, v7  }
0x91: {  	v2 =	vmul.bf16 v12, v18;
	v5 =	vld [tilespmem:s11+$0xFFFFE040]  }
0x92: {  	v9 =	vadd.bf16 v9, v10;
	v7 =	vld [tilespmem:s11+$0x40];
	v3 =	vadd.bf16 v4, v3  }
0x93: {  	v4 =	vmul.bf16 v6, v8;
	v6 =	vld [tilespmem:s11+$0xFFFFE050]  }
0x94: {  	v8 =	vld [tilespmem:s11+$0x50];
	v3 =	vadd.bf16 v3, v9  }
0x95: {  	v9 =	vmul.bf16 v13, v11;
	v10 =	vld [tilespmem:s11+$0xFFFFE060]  }
0x96: {  	v11 =	vld [tilespmem:s11+$0x60];
	v12 =	vunpack.i.u.bf16.f32 v3;
	v13 =	vunpack.i.l.bf16.f32 v3  }
0x97: {  	v5 =	vmul.bf16 v7, v5;
	v7 =	vld [tilespmem:s11+$0xFFFFE070];
	v3 =	vadd.bf16 v9, v4;
	v4 =	vadd.f32 v13, v12  }
0x98: {  	s8 =	sadd.s32 $0x40, s8;
	v9 =	vld [tilespmem:s11+$0x70]  }
0x99: {  	s9 =	simm.s32 $0x0;
	v6 =	vmul.bf16 v8, v6;
	v8 =	vld [tilespmem:s11+$0xFFFFE080];
	[tilespmem:s8+$0x10] =	vst v4  }
0x9a: {  	v4 =	vld [tilespmem:s11+$0x80]  }
0x9b: {  	v10 =	vmul.bf16 v11, v10;
	v5 =	vadd.bf16 v6, v5;
	v6 =	vld [tilespmem:s11+$0xFFFFE090]  }
0x9c: {  	v11 =	vld [tilespmem:s11+$0x90]  }
0x9d: {  	v7 =	vmul.bf16 v9, v7;
	v9 =	vld [tilespmem:s11+$0xFFFFE0A0]  }
0x9e: {  	v12 =	vld [tilespmem:s11+$0xA0]  }
0x9f: {  	v7 =	vadd.bf16 v7, v10;
	v8 =	vmul.bf16 v4, v8;
	v10 =	vld [tilespmem:s11+$0xFFFFE0B0]  }
0xa0: {  	v13 =	vld [tilespmem:s11+$0xB0]  }
0xa1: {  	v4 =	vadd.bf16 v7, v5;
	v5 =	vmul.bf16 v11, v6;
	v6 =	vld [tilespmem:s11+$0xFFFFE0C0]  }
0xa2: {  	v7 =	vld [tilespmem:s11+$0xC0]  }
0xa3: {  	v9 =	vmul.bf16 v12, v9;
	v11 =	vld [tilespmem:s11+$0xFFFFE0D0];
	v5 =	vadd.bf16 v5, v8  }
0xa4: {  	v8 =	vld [tilespmem:s11+$0xD0]  }
0xa5: {  	v10 =	vmul.bf16 v13, v10;
	v12 =	vld [tilespmem:s11+$0xFFFFE0E0]  }
0xa6: {  	v13 =	vld [tilespmem:s11+$0xE0]  }
0xa7: {  	v6 =	vmul.bf16 v7, v6;
	v7 =	vld [tilespmem:s11+$0xFFFFE0F0];
	v9 =	vadd.bf16 v10, v9  }
0xa8: {  	v10 =	vld [tilespmem:s11+$0xF0]  }
0xa9: {  	v8 =	vmul.bf16 v8, v11;
	v5 =	vadd.bf16 v9, v5;
	v9 =	vld [tilespmem:s11+$0xFFFFE100]  }
0xaa: {  	v11 =	vld [tilespmem:s11+$0x100]  }
0xab: {  	v12 =	vmul.bf16 v13, v12;
	v6 =	vadd.bf16 v8, v6;
	v8 =	vld [tilespmem:s11+$0xFFFFE110]  }
0xac: {  	v13 =	vld [tilespmem:s11+$0x110]  }
0xad: {  	v7 =	vmul.bf16 v10, v7;
	v10 =	vld [tilespmem:s11+$0xFFFFE120]  }
0xae: {  	v14 =	vld [tilespmem:s11+$0x120]  }
0xaf: {  	v7 =	vadd.bf16 v7, v12;
	v9 =	vmul.bf16 v11, v9;
	v11 =	vld [tilespmem:s11+$0xFFFFE130]  }
0xb0: {  	v12 =	vld [tilespmem:s11+$0x130]  }
0xb1: {  	v6 =	vadd.bf16 v7, v6;
	v7 =	vmul.bf16 v13, v8;
	v8 =	vld [tilespmem:s11+$0xFFFFE140]  }
0xb2: {  	v13 =	vld [tilespmem:s11+$0x140]  }
0xb3: {  	v5 =	vadd.bf16 v6, v5;
	v6 =	vmul.bf16 v14, v10;
	v14 =	vld [tilespmem:s11+$0xFFFFE150];
	v15 =	vadd.bf16 v7, v9  }
0xb4: {  	v16 =	vld [tilespmem:s11+$0x150]  }
.Ltmp0:
0xb5: {  	v7 =	vunpack.i.u.bf16.f32 v5;
	v9 =	vunpack.i.l.bf16.f32 v5;
	v11 =	vmul.bf16 v12, v11;
	v5 =	vld [tilespmem:s11+$0xFFFFE160];
	(pc) =	sbr.rel @p3 .LBB2_3-.Ltmp0, $4  }
0xb6: {  	v9 =	vadd.f32 v9, v7;
	v7 =	vld [tilespmem:s11+$0x160]  }
0xb7: {  	v10 =	vmul.bf16 v13, v8;
	v8 =	vld [tilespmem:s11+$0xFFFFE170];
	v6 =	vadd.bf16 v11, v6  }
0xb8: {  	[tilespmem:s8+$0xFFFFFFF0] =	vst v9;
	v9 =	vld [tilespmem:s11+$0x170]  }
0xb9: {  	v11 =	vld [tilespmem:s11+$0xFFFFE000];
	v12 =	vmul.bf16 v16, v14;
	v6 =	vadd.bf16 v6, v15;
	s11 =	sadd.s32 $0x200, s11  }
0xba: {  	_ =	sdelay $0x2  }
0xbb: {  	v5 =	vmul.bf16 v7, v5;
	v62 =	vmul.bf16 v9, v8  }
0xbc: {  	v1 =	vmul.bf16 v1, v11  }
0xbd: {  	v63 =	vadd.bf16 v12, v10;
	v5 =	vadd.bf16 v62, v5  }
0xbe: {  	v1 =	vadd.bf16 v2, v1  }
0xbf: {  	v2 =	vadd.bf16 v5, v63  }
0xc0: {  	v1 =	vadd.bf16 v3, v1  }
0xc1: {  	v2 =	vadd.bf16 v2, v6  }
0xc2: {  	v1 =	vadd.bf16 v4, v1  }
0xc3: {  	v3 =	vunpack.i.u.bf16.f32 v2;
	v2 =	vunpack.i.l.bf16.f32 v2  }
0xc4: {  	v4 =	vunpack.i.u.bf16.f32 v1;
	v1 =	vunpack.i.l.bf16.f32 v1;
	v2 =	vadd.f32 v2, v3  }
0xc5: {  	v1 =	vadd.f32 v1, v4  }
0xc6: {  	[tilespmem:s8+$0x0] =	vst v2  }
0xc7: {  	[tilespmem:s8+$0xFFFFFFE0] =	vst v1  }
.LBB2_5:
0xc8: {  	v1 =	vmov s9  }
0xc9: {  	s8 =	sor.u32 $0x10, s9;
	v1 =	vshll.u32 v1, $0x4  }
0xca: {  	v2 =	vmov s8;
	v1 =	vor.u32 v0, v1  }
0xcb: {  	v2 =	vshll.u32 v2, $0x4;
	v3 =	vor.u32 $0x1, v1  }
0xcc: {  	v2 =	vor.u32 v0, v2  }
0xcd: {  	v4 =	vor.u32 $0x1, v2  }
0xce: {  	v5 =	vor.u32 $0x2, v1  }
0xcf: {  	v7 =	vor.u32 $0x2, v2;
	v6 =	vld.idx.msk [tilespmem:v1+s24+$0x0], $0xffff  }
0xd0: {  	v8 =	vor.u32 $0x3, v1;
	v3 =	vld.idx.msk [tilespmem:v3+s24+$0x0], $0xffff  }
0xd1: {  	v10 =	vor.u32 $0x3, v2;
	v9 =	vld.idx.msk [tilespmem:v2+s24+$0x0], $0xffff  }
0xd2: {  	v11 =	vor.u32 $0x4, v1;
	v4 =	vld.idx.msk [tilespmem:v4+s24+$0x0], $0xffff  }
0xd3: {  	v12 =	vor.u32 $0x4, v2;
	v5 =	vld.idx.msk [tilespmem:v5+s24+$0x0], $0xffff  }
0xd4: {  	v13 =	vor.u32 $0x5, v1;
	v7 =	vld.idx.msk [tilespmem:v7+s24+$0x0], $0xffff  }
0xd5: {  	v14 =	vor.u32 $0x5, v2;
	v8 =	vld.idx.msk [tilespmem:v8+s24+$0x0], $0xffff  }
0xd6: {  	v43 =	vor.u32 $0x6, v1;
	v10 =	vld.idx.msk [tilespmem:v10+s24+$0x0], $0xffff;
	v3 =	vadd.f32 v3, v6  }
0xd7: {  	v44 =	vor.u32 $0x6, v2;
	v11 =	vld.idx.msk [tilespmem:v11+s24+$0x0], $0xffff;
	v4 =	vadd.f32 v4, v9  }
0xd8: {  	v45 =	vor.u32 $0x7, v1;
	v12 =	vld.idx.msk [tilespmem:v12+s24+$0x0], $0xffff;
	v3 =	vadd.f32 v5, v3  }
0xd9: {  	v46 =	vor.u32 $0x7, v2;
	v13 =	vld.idx.msk [tilespmem:v13+s24+$0x0], $0xffff;
	v4 =	vadd.f32 v7, v4  }
0xda: {  	v47 =	vor.u32 $0x8, v1;
	v14 =	vld.idx.msk [tilespmem:v14+s24+$0x0], $0xffff;
	v3 =	vadd.f32 v8, v3  }
0xdb: {  	v48 =	vor.u32 $0x8, v2;
	v6 =	vld.idx.msk [tilespmem:v43+s24+$0x0], $0xffff;
	v4 =	vadd.f32 v10, v4  }
0xdc: {  	v49 =	vor.u32 $0x9, v1;
	v9 =	vld.idx.msk [tilespmem:v44+s24+$0x0], $0xffff;
	v3 =	vadd.f32 v11, v3  }
0xdd: {  	v50 =	vor.u32 $0x9, v2;
	v5 =	vld.idx.msk [tilespmem:v45+s24+$0x0], $0xffff;
	v4 =	vadd.f32 v12, v4  }
0xde: {  	v51 =	vor.u32 $0xA, v1;
	v7 =	vld.idx.msk [tilespmem:v46+s24+$0x0], $0xffff;
	v3 =	vadd.f32 v13, v3  }
0xdf: {  	v52 =	vor.u32 $0xA, v2;
	v8 =	vld.idx.msk [tilespmem:v47+s24+$0x0], $0xffff;
	v4 =	vadd.f32 v14, v4  }
0xe0: {  	v53 =	vor.u32 $0xB, v1;
	v10 =	vld.idx.msk [tilespmem:v48+s24+$0x0], $0xffff;
	v3 =	vadd.f32 v6, v3  }
0xe1: {  	v54 =	vor.u32 $0xB, v2;
	v11 =	vld.idx.msk [tilespmem:v49+s24+$0x0], $0xffff;
	v4 =	vadd.f32 v9, v4  }
0xe2: {  	v55 =	vor.u32 $0xC, v1;
	v12 =	vld.idx.msk [tilespmem:v50+s24+$0x0], $0xffff;
	v3 =	vadd.f32 v5, v3  }
0xe3: {  	v56 =	vor.u32 $0xC, v2;
	v13 =	vld.idx.msk [tilespmem:v51+s24+$0x0], $0xffff;
	v4 =	vadd.f32 v7, v4  }
0xe4: {  	v57 =	vor.u32 $0xD, v1;
	v14 =	vld.idx.msk [tilespmem:v52+s24+$0x0], $0xffff;
	v3 =	vadd.f32 v8, v3  }
0xe5: {  	v58 =	vor.u32 $0xD, v2;
	v6 =	vld.idx.msk [tilespmem:v53+s24+$0x0], $0xffff;
	v4 =	vadd.f32 v10, v4  }
0xe6: {  	v59 =	vor.u32 $0xE, v1;
	v9 =	vld.idx.msk [tilespmem:v54+s24+$0x0], $0xffff;
	v3 =	vadd.f32 v11, v3  }
0xe7: {  	v60 =	vor.u32 $0xE, v2;
	v5 =	vld.idx.msk [tilespmem:v55+s24+$0x0], $0xffff;
	v4 =	vadd.f32 v12, v4  }
0xe8: {  	v1 =	vor.u32 $0xF, v1;
	v7 =	vld.idx.msk [tilespmem:v56+s24+$0x0], $0xffff;
	v3 =	vadd.f32 v13, v3  }
0xe9: {  	v2 =	vor.u32 $0xF, v2;
	v8 =	vld.idx.msk [tilespmem:v57+s24+$0x0], $0xffff;
	v4 =	vadd.f32 v14, v4  }
0xea: {  	v61 =	vld.idx.msk [tilespmem:v58+s24+$0x0], $0xffff;
	v3 =	vadd.f32 v6, v3  }
0xeb: {  	v62 =	vld.idx.msk [tilespmem:v59+s24+$0x0], $0xffff;
	v4 =	vadd.f32 v9, v4  }
0xec: {  	v63 =	vld.idx.msk [tilespmem:v60+s24+$0x0], $0xffff;
	v3 =	vadd.f32 v5, v3  }
0xed: {  	v1 =	vld.idx.msk [tilespmem:v1+s24+$0x0], $0xffff;
	v4 =	vadd.f32 v7, v4  }
0xee: {  	v2 =	vld.idx.msk [tilespmem:v2+s24+$0x0], $0xffff;
	v3 =	vadd.f32 v8, v3  }
0xef: {  	v4 =	vadd.f32 v61, v4  }
0xf0: {  	p3 =	por p2, p2;
	v3 =	vadd.f32 v62, v3  }
.Ltmp1:
0xf1: {  	v4 =	vadd.f32 v63, v4;
	(pc) =	sbr.rel @p3 .LBB2_5-.Ltmp1, $4  }
0xf2: {  	v1 =	vadd.f32 v1, v3  }
0xf3: {  	v2 =	vadd.f32 v2, v4  }
0xf4: {  	[tilespmem:s9+$0x8500] =	vst v1  }
0xf5: {  	p2 =	por $0x0, $0x0;
	[tilespmem:s9+$0x8510] =	vst v2;
	s9 =	simm.s32 $0x20  }
0xf6: {  	s8 =	sor.u32 s5, s1  }
0xf7: {  	s9 =	smin.u32 s8, $0x9C3  }
0xf8: {  	s9 =	sshll.u32 s9, $0x3  }
0xf9: {  	s9 =	sadd.s32 s2, s9  }
0xfa: {  	[hbm4b:s9+s4] =	stream.linear.scatter [tilespmem:s25], [sflag:$0x6], $0x40, $0x38;
	[tilespmem:$0x1BE00] =	vst v63  }
0xfb: {  	_ =	swait.ge [sflag:s26], $0x4000  }
0xfc: {  	[sflag:s26] =	ssyncset.done $0x0  }
0xfd: {  	[sflag:s26] =	ssyncadd.s32 $0xFFFFC000  }
0xfe: {  	_ =	swait.ge [sflag:s19], $0x40  }
0xff: {  	[sflag:s19] =	ssyncset.done $0x0  }
0x100: {  	[sflag:s19] =	ssyncadd.s32 $0xFFFFFFC0  }
0x101: {  	s9 =	sadd.s32 s13, s1;
	_ =	swait.ge [sflag:s19], $0x40  }
0x102: {  	s1 =	smin.u32 s9, $0x9C3;
	[sflag:s19] =	ssyncset.done $0x0  }
0x103: {  	s1 =	sshll.u32 s1, $0x3;
	[sflag:s19] =	ssyncadd.s32 $0xFFFFFFC0  }
0x104: {  	[tilespmem:s20], [sflag:$0x4] =	stream.indirect.gather [spmem:s3], $0x80, s4, s17, $0xb8;
	[tilespmem:$0x1BE00] =	vst v63  }
0x105: {  	s10 =	sadd.s32 s6, s1  }
0x106: {  	[tilespmem:s17], [sflag:$0x3] =	stream.linear.gather [hbm4b:s10+s4], $0x40, $0x38;
	[tilespmem:$0x1BE00] =	vst v63  }
0x107: {  	s1 =	sadd.s32 s7, s1  }
0x108: {  	[tilespmem:s18], [sflag:$0x3] =	stream.linear.gather [hbm4b:s1+s4], $0x40, $0x38;
	[tilespmem:$0x1BE00] =	vst v63  }
0x109: {  	s1 =	simm.s32 @!p1 $0x7  }
0x10a: {  	_ =	swait.ge @!p1 [sflag:s1], $0x40  }
0x10b: {  	[sflag:s1] =	ssyncset.done @!p1 $0x0  }
0x10c: {  	s11 =	simm.s32 $0x6100;
	[sflag:s1] =	ssyncadd.s32 @!p1 $0xFFFFFFC0  }
0x10d: {  	v2 =	vld [tilespmem:s11+$0xFFFFE180]  }
0x10e: {  	v3 =	vld [tilespmem:s11+$0x180]  }
0x10f: {  	v4 =	vld [tilespmem:s11+$0xFFFFE190]  }
0x110: {  	v5 =	vld [tilespmem:s11+$0x190]  }
0x111: {  	v6 =	vld [tilespmem:s11+$0xFFFFE1A0]  }
0x112: {  	v7 =	vld [tilespmem:s11+$0x1A0]  }
0x113: {  	v8 =	vld [tilespmem:s11+$0xFFFFE1B0]  }
0x114: {  	v9 =	vld [tilespmem:s11+$0x1B0]  }
0x115: {  	v10 =	vld [tilespmem:s11+$0xFFFFE1C0]  }
0x116: {  	v11 =	vld [tilespmem:s11+$0x1C0]  }
0x117: {  	v12 =	vld [tilespmem:s11+$0xFFFFE1D0]  }
0x118: {  	v13 =	vld [tilespmem:s11+$0x1D0]  }
0x119: {  	v14 =	vld [tilespmem:s11+$0xFFFFE1E0]  }
0x11a: {  	v15 =	vld [tilespmem:s11+$0x1E0]  }
0x11b: {  	v16 =	vld [tilespmem:s11+$0xFFFFE1F0]  }
0x11c: {  	v17 =	vld [tilespmem:s11+$0x1F0]  }
0x11d: {  	v1 =	vld [tilespmem:s11+$0x0]  }
0x11e: {  	v18 =	vld [tilespmem:s11+$0xFFFFE010]  }
0x11f: {  	v20 =	vld [tilespmem:s11+$0xFFFFE020]  }
0x120: {  	v21 =	vld [tilespmem:s11+$0x20]  }
0x121: {  	v22 =	vld [tilespmem:s11+$0xFFFFE030]  }
0x122: {  	v23 =	vld [tilespmem:s11+$0x30]  }
0x123: {  	v24 =	vld [tilespmem:s11+$0xFFFFE040]  }
0x124: {  	v25 =	vld [tilespmem:s11+$0x40]  }
0x125: {  	v26 =	vld [tilespmem:s11+$0xFFFFE050]  }
0x126: {  	v27 =	vld [tilespmem:s11+$0x50]  }
0x127: {  	v28 =	vld [tilespmem:s11+$0xFFFFE060]  }
0x128: {  	v29 =	vld [tilespmem:s11+$0x60]  }
0x129: {  	v30 =	vld [tilespmem:s11+$0xFFFFE070]  }
0x12a: {  	v31 =	vld [tilespmem:s11+$0x70]  }
0x12b: {  	v32 =	vld [tilespmem:s11+$0xFFFFE080]  }
0x12c: {  	v33 =	vld [tilespmem:s11+$0x80]  }
0x12d: {  	v34 =	vld [tilespmem:s11+$0xFFFFE090]  }
0x12e: {  	v35 =	vld [tilespmem:s11+$0x90]  }
0x12f: {  	v36 =	vld [tilespmem:s11+$0xFFFFE0A0]  }
0x130: {  	v37 =	vld [tilespmem:s11+$0xA0]  }
0x131: {  	v38 =	vld [tilespmem:s11+$0xFFFFE0B0]  }
0x132: {  	v39 =	vld [tilespmem:s11+$0xB0]  }
0x133: {  	v40 =	vld [tilespmem:s11+$0xFFFFE0C0]  }
0x134: {  	v41 =	vld [tilespmem:s11+$0xC0]  }
0x135: {  	v42 =	vld [tilespmem:s11+$0xFFFFE0D0]  }
0x136: {  	v56 =	vld [tilespmem:s11+$0x110]  }
0x137: {  	v57 =	vld [tilespmem:s11+$0xFFFFE120];
	v2 =	vmul.bf16 v3, v2;
	v3 =	vmul.bf16 v5, v4  }
0x138: {  	v4 =	vld [tilespmem:s11+$0xD0];
	v5 =	vmul.bf16 v7, v6;
	v6 =	vmul.bf16 v9, v8  }
0x139: {  	v7 =	vld [tilespmem:s11+$0xFFFFE0E0];
	v8 =	vmul.bf16 v11, v10;
	v9 =	vmul.bf16 v13, v12  }
0x13a: {  	v10 =	vld [tilespmem:s11+$0xE0];
	v11 =	vmul.bf16 v15, v14;
	v12 =	vmul.bf16 v17, v16  }
0x13b: {  	v13 =	vld [tilespmem:s11+$0xFFFFE0F0];
	v2 =	vadd.bf16 v3, v2;
	v3 =	vadd.bf16 v6, v5  }
0x13c: {  	v5 =	vld [tilespmem:s11+$0xF0];
	v6 =	vadd.bf16 v9, v8;
	v8 =	vadd.bf16 v12, v11  }
0x13d: {  	v58 =	vld [tilespmem:s11+$0xFFFFE140];
	v14 =	vmul.bf16 v37, v36  }
0x13e: {  	v15 =	vmul.bf16 v39, v38;
	v9 =	vld [tilespmem:s11+$0xFFFFE100];
	v2 =	vadd.bf16 v3, v2;
	v6 =	vadd.bf16 v8, v6  }
0x13f: {  	v11 =	vmul.bf16 v35, v34;
	v12 =	vld [tilespmem:s11+$0xFFFFE110];
	v8 =	vmul.bf16 v33, v32  }
0x140: {  	v3 =	vld [tilespmem:s11+$0x100];
	v4 =	vmul.bf16 v4, v42;
	v2 =	vadd.bf16 v6, v2;
	v6 =	vmul.bf16 v41, v40  }
0x141: {  	v7 =	vmul.bf16 v10, v7;
	v10 =	vld [tilespmem:s11+$0x120];
	v8 =	vadd.bf16 v11, v8;
	v5 =	vmul.bf16 v5, v13  }
0x142: {  	v13 =	vadd.bf16 v15, v14;
	v15 =	vmul.bf16 v25, v24;
	v4 =	vadd.bf16 v4, v6;
	v6 =	vld [tilespmem:s11+$0xFFFFE130]  }
0x143: {  	v14 =	vunpack.i.u.bf16.f32 v2;
	v2 =	vunpack.i.l.bf16.f32 v2;
	v5 =	vadd.bf16 v5, v7;
	v7 =	vld [tilespmem:s11+$0x130]  }
0x144: {  	v60 =	vld [tilespmem:s11+$0xFFFFE150];
	v14 =	vadd.f32 v2, v14;
	v2 =	vmul.bf16 v27, v26;
	v8 =	vadd.bf16 v13, v8  }
0x145: {  	v13 =	vld [tilespmem:s11+$0x140];
	v3 =	vmul.bf16 v3, v9;
	v9 =	vmul.bf16 v56, v12;
	v4 =	vadd.bf16 v5, v4  }
0x146: {  	v12 =	vld [tilespmem:s11+$0x150];
	v5 =	vmul.bf16 v29, v28;
	v15 =	vadd.bf16 v2, v15;
	v2 =	vmul.bf16 v31, v30  }
0x147: {  	v19 =	vld [tilespmem:s11+$0x10];
	v59 =	vmul.bf16 v23, v22;
	v11 =	vmul.bf16 v21, v20;
	v4 =	vadd.bf16 v4, v8  }
0x148: {  	v61 =	vadd.bf16 v2, v5;
	v2 =	vmul.bf16 v10, v57;
	v5 =	vld [tilespmem:s11+$0xFFFFE160];
	v6 =	vmul.bf16 v7, v6  }
0x149: {  	v62 =	vadd.bf16 v9, v3;
	v7 =	vld [tilespmem:s11+$0x160];
	v3 =	vunpack.i.u.bf16.f32 v4;
	v4 =	vunpack.i.l.bf16.f32 v4  }
0x14a: {  	s1 =	simm.s32 $0x8120;
	v8 =	vld [tilespmem:s11+$0xFFFFE170];
	v63 =	vadd.f32 v4, v3;
	v6 =	vadd.bf16 v6, v2  }
0x14b: {  	[tilespmem:s1+$0x10] =	vst v14;
	v10 =	vld [tilespmem:s11+$0x170];
	v9 =	vmul.bf16 v13, v58;
	v12 =	vmul.bf16 v12, v60;
	v3 =	vadd.bf16 v59, v11  }
0x14c: {  	s10 =	simm.s32 $0x0;
	v2 =	vmul.bf16 v19, v18;
	v4 =	vadd.bf16 v61, v15;
	v11 =	vld [tilespmem:s11+$0xFFFFE000];
	s11 =	simm.s32 $0x6300;
	[tilespmem:s1+$0xFFFFFFF0] =	vst v63;
	v6 =	vadd.bf16 v6, v62  }
.LBB2_7:
0x14d: {  	v13 =	vld [tilespmem:s11+$0xFFFFE180]  }
0x14e: {  	v14 =	vld [tilespmem:s11+$0x180];
	v5 =	vmul.bf16 v7, v5;
	v7 =	vadd.bf16 v12, v9  }
0x14f: {  	v9 =	vld [tilespmem:s11+$0xFFFFE190]  }
0x150: {  	v12 =	vld [tilespmem:s11+$0x190];
	v8 =	vmul.bf16 v10, v8  }
0x151: {  	v10 =	vld [tilespmem:s11+$0xFFFFE1A0];
	v1 =	vmul.bf16 v1, v11  }
0x152: {  	v11 =	vld [tilespmem:s11+$0x1A0];
	v5 =	vadd.bf16 v8, v5  }
0x153: {  	v8 =	vld [tilespmem:s11+$0xFFFFE1B0];
	v1 =	vadd.bf16 v2, v1  }
0x154: {  	v2 =	vld [tilespmem:s11+$0x1B0];
	v5 =	vadd.bf16 v5, v7  }
0x155: {  	v7 =	vld [tilespmem:s11+$0xFFFFE1C0];
	v1 =	vadd.bf16 v3, v1  }
0x156: {  	v3 =	vld [tilespmem:s11+$0x1C0];
	v5 =	vadd.bf16 v5, v6  }
0x157: {  	v6 =	vld [tilespmem:s11+$0xFFFFE1D0];
	v1 =	vadd.bf16 v4, v1  }
0x158: {  	v4 =	vld [tilespmem:s11+$0x1D0];
	v15 =	vunpack.i.u.bf16.f32 v5;
	v5 =	vunpack.i.l.bf16.f32 v5  }
0x159: {  	v16 =	vld [tilespmem:s11+$0xFFFFE1E0];
	v17 =	vunpack.i.u.bf16.f32 v1;
	v1 =	vunpack.i.l.bf16.f32 v1;
	v5 =	vadd.f32 v5, v15  }
0x15a: {  	v15 =	vld [tilespmem:s11+$0x1E0];
	v1 =	vadd.f32 v1, v17  }
0x15b: {  	v17 =	vld [tilespmem:s11+$0xFFFFE1F0];
	[tilespmem:s1+$0x0] =	vst v5  }
0x15c: {  	s10 =	sadd.s32 $0x4, s10;
	v5 =	vld [tilespmem:s11+$0x1F0];
	[tilespmem:s1+$0xFFFFFFE0] =	vst v1  }
0x15d: {  	p2 =	slt.u32 s10, $0x3C;
	v1 =	vld [tilespmem:s11+$0x0]  }
0x15e: {  	v13 =	vmul.bf16 v14, v13;
	v9 =	vmul.bf16 v12, v9;
	v18 =	vld [tilespmem:s11+$0xFFFFE010]  }
0x15f: {  	v10 =	vmul.bf16 v11, v10;
	v2 =	vmul.bf16 v2, v8;
	v12 =	vld [tilespmem:s11+$0x10]  }
0x160: {  	v3 =	vmul.bf16 v3, v7;
	v4 =	vmul.bf16 v4, v6;
	v8 =	vld [tilespmem:s11+$0xFFFFE020]  }
0x161: {  	v7 =	vmul.bf16 v15, v16;
	v6 =	vld [tilespmem:s11+$0x20];
	v5 =	vmul.bf16 v5, v17  }
0x162: {  	v9 =	vadd.bf16 v9, v13;
	v10 =	vadd.bf16 v2, v10;
	v11 =	vld [tilespmem:s11+$0xFFFFE030]  }
0x163: {  	v3 =	vadd.bf16 v4, v3;
	v13 =	vld [tilespmem:s11+$0x30];
	v4 =	vadd.bf16 v5, v7  }
0x164: {  	v2 =	vmul.bf16 v12, v18;
	v5 =	vld [tilespmem:s11+$0xFFFFE040]  }
0x165: {  	v9 =	vadd.bf16 v10, v9;
	v7 =	vld [tilespmem:s11+$0x40];
	v3 =	vadd.bf16 v4, v3  }
0x166: {  	v4 =	vmul.bf16 v6, v8;
	v6 =	vld [tilespmem:s11+$0xFFFFE050]  }
0x167: {  	v8 =	vld [tilespmem:s11+$0x50];
	v3 =	vadd.bf16 v3, v9  }
0x168: {  	v9 =	vmul.bf16 v13, v11;
	v10 =	vld [tilespmem:s11+$0xFFFFE060]  }
0x169: {  	v11 =	vld [tilespmem:s11+$0x60];
	v12 =	vunpack.i.u.bf16.f32 v3;
	v13 =	vunpack.i.l.bf16.f32 v3  }
0x16a: {  	v5 =	vmul.bf16 v7, v5;
	v7 =	vld [tilespmem:s11+$0xFFFFE070];
	v3 =	vadd.bf16 v9, v4;
	v4 =	vadd.f32 v13, v12  }
0x16b: {  	s1 =	sadd.s32 $0x40, s1;
	v9 =	vld [tilespmem:s11+$0x70]  }
0x16c: {  	s9 =	simm.s32 $0x0;
	p1 =	por $0x1, $0x1;
	v6 =	vmul.bf16 v8, v6;
	v8 =	vld [tilespmem:s11+$0xFFFFE080];
	[tilespmem:s1+$0x10] =	vst v4  }
0x16d: {  	v4 =	vld [tilespmem:s11+$0x80]  }
0x16e: {  	v10 =	vmul.bf16 v11, v10;
	v5 =	vadd.bf16 v6, v5;
	v6 =	vld [tilespmem:s11+$0xFFFFE090]  }
0x16f: {  	v11 =	vld [tilespmem:s11+$0x90]  }
0x170: {  	v7 =	vmul.bf16 v9, v7;
	v9 =	vld [tilespmem:s11+$0xFFFFE0A0]  }
0x171: {  	v12 =	vld [tilespmem:s11+$0xA0]  }
0x172: {  	v7 =	vadd.bf16 v7, v10;
	v8 =	vmul.bf16 v4, v8;
	v10 =	vld [tilespmem:s11+$0xFFFFE0B0]  }
0x173: {  	v13 =	vld [tilespmem:s11+$0xB0]  }
0x174: {  	v4 =	vadd.bf16 v7, v5;
	v5 =	vmul.bf16 v11, v6;
	v6 =	vld [tilespmem:s11+$0xFFFFE0C0]  }
0x175: {  	v7 =	vld [tilespmem:s11+$0xC0]  }
0x176: {  	v9 =	vmul.bf16 v12, v9;
	v11 =	vld [tilespmem:s11+$0xFFFFE0D0];
	v5 =	vadd.bf16 v5, v8  }
0x177: {  	v8 =	vld [tilespmem:s11+$0xD0]  }
0x178: {  	v10 =	vmul.bf16 v13, v10;
	v12 =	vld [tilespmem:s11+$0xFFFFE0E0]  }
0x179: {  	v13 =	vld [tilespmem:s11+$0xE0]  }
0x17a: {  	v6 =	vmul.bf16 v7, v6;
	v7 =	vld [tilespmem:s11+$0xFFFFE0F0];
	v9 =	vadd.bf16 v10, v9  }
0x17b: {  	v10 =	vld [tilespmem:s11+$0xF0]  }
0x17c: {  	v8 =	vmul.bf16 v8, v11;
	v5 =	vadd.bf16 v9, v5;
	v9 =	vld [tilespmem:s11+$0xFFFFE100]  }
0x17d: {  	v11 =	vld [tilespmem:s11+$0x100]  }
0x17e: {  	v12 =	vmul.bf16 v13, v12;
	v6 =	vadd.bf16 v8, v6;
	v8 =	vld [tilespmem:s11+$0xFFFFE110]  }
0x17f: {  	v13 =	vld [tilespmem:s11+$0x110]  }
0x180: {  	v7 =	vmul.bf16 v10, v7;
	v10 =	vld [tilespmem:s11+$0xFFFFE120]  }
0x181: {  	v14 =	vld [tilespmem:s11+$0x120]  }
0x182: {  	v7 =	vadd.bf16 v7, v12;
	v9 =	vmul.bf16 v11, v9;
	v11 =	vld [tilespmem:s11+$0xFFFFE130]  }
0x183: {  	v12 =	vld [tilespmem:s11+$0x130]  }
0x184: {  	v6 =	vadd.bf16 v7, v6;
	v7 =	vmul.bf16 v13, v8;
	v8 =	vld [tilespmem:s11+$0xFFFFE140]  }
0x185: {  	v13 =	vld [tilespmem:s11+$0x140]  }
0x186: {  	v5 =	vadd.bf16 v6, v5;
	v6 =	vmul.bf16 v14, v10;
	v14 =	vld [tilespmem:s11+$0xFFFFE150];
	v15 =	vadd.bf16 v7, v9  }
0x187: {  	v16 =	vld [tilespmem:s11+$0x150]  }
.Ltmp2:
0x188: {  	v7 =	vunpack.i.u.bf16.f32 v5;
	v9 =	vunpack.i.l.bf16.f32 v5;
	v10 =	vmul.bf16 v12, v11;
	v5 =	vld [tilespmem:s11+$0xFFFFE160];
	(pc) =	sbr.rel @p2 .LBB2_7-.Ltmp2, $4  }
0x189: {  	v11 =	vadd.f32 v9, v7;
	v7 =	vld [tilespmem:s11+$0x160]  }
0x18a: {  	v9 =	vmul.bf16 v13, v8;
	v8 =	vld [tilespmem:s11+$0xFFFFE170];
	v6 =	vadd.bf16 v10, v6  }
0x18b: {  	[tilespmem:s1+$0xFFFFFFF0] =	vst v11;
	v10 =	vld [tilespmem:s11+$0x170]  }
0x18c: {  	v11 =	vld [tilespmem:s11+$0xFFFFE000];
	v12 =	vmul.bf16 v16, v14;
	v6 =	vadd.bf16 v6, v15;
	s11 =	sadd.s32 $0x200, s11  }
0x18d: {  	_ =	sdelay $0x2  }
0x18e: {  	v5 =	vmul.bf16 v7, v5;
	v62 =	vmul.bf16 v10, v8  }
0x18f: {  	v1 =	vmul.bf16 v1, v11  }
0x190: {  	v63 =	vadd.bf16 v12, v9;
	v5 =	vadd.bf16 v62, v5  }
0x191: {  	v1 =	vadd.bf16 v2, v1  }
0x192: {  	v2 =	vadd.bf16 v5, v63  }
0x193: {  	v1 =	vadd.bf16 v3, v1  }
0x194: {  	v2 =	vadd.bf16 v2, v6  }
0x195: {  	v1 =	vadd.bf16 v4, v1  }
0x196: {  	v3 =	vunpack.i.u.bf16.f32 v2;
	v2 =	vunpack.i.l.bf16.f32 v2  }
0x197: {  	v4 =	vunpack.i.u.bf16.f32 v1;
	v1 =	vunpack.i.l.bf16.f32 v1;
	v2 =	vadd.f32 v2, v3  }
0x198: {  	v1 =	vadd.f32 v1, v4  }
0x199: {  	[tilespmem:s1+$0x0] =	vst v2  }
0x19a: {  	[tilespmem:s1+$0xFFFFFFE0] =	vst v1  }
.LBB2_9:
0x19b: {  	v1 =	vmov s9  }
0x19c: {  	s1 =	sor.u32 $0x10, s9;
	v1 =	vshll.u32 v1, $0x4  }
0x19d: {  	v2 =	vmov s1;
	v1 =	vor.u32 v0, v1  }
0x19e: {  	v2 =	vshll.u32 v2, $0x4;
	v3 =	vor.u32 $0x1, v1  }
0x19f: {  	v2 =	vor.u32 v0, v2  }
0x1a0: {  	v4 =	vor.u32 $0x1, v2  }
0x1a1: {  	v5 =	vor.u32 $0x2, v1  }
0x1a2: {  	v7 =	vor.u32 $0x2, v2;
	v6 =	vld.idx.msk [tilespmem:v1+s24+$0x0], $0xffff  }
0x1a3: {  	v8 =	vor.u32 $0x3, v1;
	v3 =	vld.idx.msk [tilespmem:v3+s24+$0x0], $0xffff  }
0x1a4: {  	v10 =	vor.u32 $0x3, v2;
	v9 =	vld.idx.msk [tilespmem:v2+s24+$0x0], $0xffff  }
0x1a5: {  	v11 =	vor.u32 $0x4, v1;
	v4 =	vld.idx.msk [tilespmem:v4+s24+$0x0], $0xffff  }
0x1a6: {  	v12 =	vor.u32 $0x4, v2;
	v5 =	vld.idx.msk [tilespmem:v5+s24+$0x0], $0xffff  }
0x1a7: {  	v13 =	vor.u32 $0x5, v1;
	v7 =	vld.idx.msk [tilespmem:v7+s24+$0x0], $0xffff  }
0x1a8: {  	v14 =	vor.u32 $0x5, v2;
	v8 =	vld.idx.msk [tilespmem:v8+s24+$0x0], $0xffff  }
0x1a9: {  	v43 =	vor.u32 $0x6, v1;
	v10 =	vld.idx.msk [tilespmem:v10+s24+$0x0], $0xffff;
	v3 =	vadd.f32 v3, v6  }
0x1aa: {  	v44 =	vor.u32 $0x6, v2;
	v11 =	vld.idx.msk [tilespmem:v11+s24+$0x0], $0xffff;
	v4 =	vadd.f32 v4, v9  }
0x1ab: {  	v45 =	vor.u32 $0x7, v1;
	v12 =	vld.idx.msk [tilespmem:v12+s24+$0x0], $0xffff;
	v3 =	vadd.f32 v5, v3  }
0x1ac: {  	v46 =	vor.u32 $0x7, v2;
	v13 =	vld.idx.msk [tilespmem:v13+s24+$0x0], $0xffff;
	v4 =	vadd.f32 v7, v4  }
0x1ad: {  	v47 =	vor.u32 $0x8, v1;
	v14 =	vld.idx.msk [tilespmem:v14+s24+$0x0], $0xffff;
	v3 =	vadd.f32 v8, v3  }
0x1ae: {  	v48 =	vor.u32 $0x8, v2;
	v6 =	vld.idx.msk [tilespmem:v43+s24+$0x0], $0xffff;
	v4 =	vadd.f32 v10, v4  }
0x1af: {  	v49 =	vor.u32 $0x9, v1;
	v9 =	vld.idx.msk [tilespmem:v44+s24+$0x0], $0xffff;
	v3 =	vadd.f32 v11, v3  }
0x1b0: {  	v50 =	vor.u32 $0x9, v2;
	v5 =	vld.idx.msk [tilespmem:v45+s24+$0x0], $0xffff;
	v4 =	vadd.f32 v12, v4  }
0x1b1: {  	v51 =	vor.u32 $0xA, v1;
	v7 =	vld.idx.msk [tilespmem:v46+s24+$0x0], $0xffff;
	v3 =	vadd.f32 v13, v3  }
0x1b2: {  	v52 =	vor.u32 $0xA, v2;
	v8 =	vld.idx.msk [tilespmem:v47+s24+$0x0], $0xffff;
	v4 =	vadd.f32 v14, v4  }
0x1b3: {  	v53 =	vor.u32 $0xB, v1;
	v10 =	vld.idx.msk [tilespmem:v48+s24+$0x0], $0xffff;
	v3 =	vadd.f32 v6, v3  }
0x1b4: {  	v54 =	vor.u32 $0xB, v2;
	v11 =	vld.idx.msk [tilespmem:v49+s24+$0x0], $0xffff;
	v4 =	vadd.f32 v9, v4  }
0x1b5: {  	v55 =	vor.u32 $0xC, v1;
	v12 =	vld.idx.msk [tilespmem:v50+s24+$0x0], $0xffff;
	v3 =	vadd.f32 v5, v3  }
0x1b6: {  	v56 =	vor.u32 $0xC, v2;
	v13 =	vld.idx.msk [tilespmem:v51+s24+$0x0], $0xffff;
	v4 =	vadd.f32 v7, v4  }
0x1b7: {  	v57 =	vor.u32 $0xD, v1;
	v14 =	vld.idx.msk [tilespmem:v52+s24+$0x0], $0xffff;
	v3 =	vadd.f32 v8, v3  }
0x1b8: {  	v58 =	vor.u32 $0xD, v2;
	v6 =	vld.idx.msk [tilespmem:v53+s24+$0x0], $0xffff;
	v4 =	vadd.f32 v10, v4  }
0x1b9: {  	v59 =	vor.u32 $0xE, v1;
	v9 =	vld.idx.msk [tilespmem:v54+s24+$0x0], $0xffff;
	v3 =	vadd.f32 v11, v3  }
0x1ba: {  	v60 =	vor.u32 $0xE, v2;
	v5 =	vld.idx.msk [tilespmem:v55+s24+$0x0], $0xffff;
	v4 =	vadd.f32 v12, v4  }
0x1bb: {  	v1 =	vor.u32 $0xF, v1;
	v7 =	vld.idx.msk [tilespmem:v56+s24+$0x0], $0xffff;
	v3 =	vadd.f32 v13, v3  }
0x1bc: {  	v2 =	vor.u32 $0xF, v2;
	v8 =	vld.idx.msk [tilespmem:v57+s24+$0x0], $0xffff;
	v4 =	vadd.f32 v14, v4  }
0x1bd: {  	v61 =	vld.idx.msk [tilespmem:v58+s24+$0x0], $0xffff;
	v3 =	vadd.f32 v6, v3  }
0x1be: {  	v62 =	vld.idx.msk [tilespmem:v59+s24+$0x0], $0xffff;
	v4 =	vadd.f32 v9, v4  }
0x1bf: {  	v63 =	vld.idx.msk [tilespmem:v60+s24+$0x0], $0xffff;
	v3 =	vadd.f32 v5, v3  }
0x1c0: {  	v1 =	vld.idx.msk [tilespmem:v1+s24+$0x0], $0xffff;
	v4 =	vadd.f32 v7, v4  }
0x1c1: {  	v2 =	vld.idx.msk [tilespmem:v2+s24+$0x0], $0xffff;
	v3 =	vadd.f32 v8, v3  }
0x1c2: {  	v4 =	vadd.f32 v61, v4  }
0x1c3: {  	p2 =	por p1, p1;
	v3 =	vadd.f32 v62, v3  }
.Ltmp3:
0x1c4: {  	v4 =	vadd.f32 v63, v4;
	(pc) =	sbr.rel @p2 .LBB2_9-.Ltmp3, $4  }
0x1c5: {  	v1 =	vadd.f32 v1, v3  }
0x1c6: {  	v2 =	vadd.f32 v2, v4  }
0x1c7: {  	[tilespmem:s9+$0x8540] =	vst v1  }
0x1c8: {  	p1 =	por $0x0, $0x0;
	[tilespmem:s9+$0x8550] =	vst v2;
	s9 =	simm.s32 $0x20  }
0x1c9: {  	s0 =	sadd.s32 $0x1, s0  }
0x1ca: {  	p1 =	sne.s32 s0, $0x28  }
.Ltmp4:
0x1cb: {  	s1 =	sor.u32 $0x20, s8;
	(pc) =	sbr.rel @p1 .LBB2_2-.Ltmp4, $4  }
0x1cc: {  	s1 =	smin.u32 s1, $0x9C3  }
0x1cd: {  	s1 =	sshll.u32 s1, $0x3  }
0x1ce: {  	s1 =	sadd.s32 s2, s1  }
0x1cf: {  	[hbm4b:s1+s4] =	stream.linear.scatter [tilespmem:s28], [sflag:$0x7], $0x40, $0x38;
	[tilespmem:$0x1BE00] =	vst v63  }
0x1d0: {  	_ =	swait.ge [sflag:s21], $0x4000  }
0x1d1: {  	[sflag:s21] =	ssyncset.done $0x0  }
0x1d2: {  	[sflag:s21] =	ssyncadd.s32 $0xFFFFC000  }
0x1d3: {  	_ =	swait.ge [sflag:s22], $0x40  }
0x1d4: {  	[sflag:s22] =	ssyncset.done $0x0  }
0x1d5: {  	[sflag:s22] =	ssyncadd.s32 $0xFFFFFFC0  }
0x1d6: {  	_ =	swait.ge [sflag:s22], $0x40  }
0x1d7: {  	[sflag:s22] =	ssyncset.done $0x0  }
0x1d8: {  	s31 =	sadd.s32 $0x1, s31;
	[sflag:s22] =	ssyncadd.s32 $0xFFFFFFC0  }
0x1d9: {  	p1 =	sne.s32 s31, s14;
	_ =	swait.ge [sflag:s29], $0x40  }
.Ltmp5:
0x1da: {  	[sflag:s29] =	ssyncset.done $0x0;
	(pc) =	sbr.rel @p1 .LBB2_1-.Ltmp5, $4  }
0x1db: {  	[sflag:s29] =	ssyncadd.s32 $0xFFFFFFC0  }
0x1dc: {  	_ =	swait.ge [sflag:s30], $0x40  }
0x1dd: {  	[sflag:s30] =	ssyncset.done $0x0  }
0x1de: {  	[sflag:s30] =	ssyncadd.s32 $0xFFFFFFC0  }
0x1df: {  	_ =	sfence.sel $0x180000  }
0x1e0: {  	[bflag:$0x0] =	sbarrier.arrive $0xFFFF  }
0x1e1: {  	_ =	strace $0x90000047  }
0x1e2: {  	[bflag:$0x2] =	sbarrier.arrive $0xFFFF  }
0x1e3: {  	s0 =	rddreg [dreg:$0x3]  }
0x1e4: {  	s0 =	sadd.s32 @!p0 $0x100000, s0  }
0x1e5: {  	[sflag:s0] =	ssyncadd.tile.s32 @!p0 $0x1;
	_ =	shalt  }
.Lfunc_end2:
_tile_overlayer_lowered:
.L_overlay_start_2:
0x1e6: {  	(tag) =	ssettag $0x2  }
0x1e7: {  	s0 =	rddreg [dreg:$0x0];
	s2 =	stileid.u32  }
0x1e8: {  	s1 =	rddreg [dreg:$0x1];
	p0 =	sne.s32 s2, $0x0  }
0x1e9: {  	s3 =	rddreg [dreg:$0x2];
	[bflag:$0x3] =	sbarrier.arrive $0xFFFF;
	s2 =	simm.s32 @!p0 $0x1C08  }
0x1ea: {  	[timem:s3], [sflag:s2] =	dma.local @!p0 [hbm:s0], s1  }
0x1eb: {  	s0 =	simm.s32 @!p0 $0x8  }
0x1ec: {  	_ =	swait.ge @!p0 [sflag:s0], s1  }
0x1ed: {  	s1 =	ssub.s32 @!p0 $0x0, s1;
	[sflag:s0] =	ssyncset.done @!p0 $0x0  }
0x1ee: {  	[sflag:s0] =	ssyncadd.s32 @!p0 s1  }
0x1ef: {  	[bflag:$0x3] =	sbarrier.arrive $0xFFFF  }
0x1f0: {  	_ =	shalt  }

</sc_bundles>
